<compile_context>
chip_gen: v7x
topology: tpu7x:2x2x1
jax: 0.10.2.dev20260603
libtpu: 0.0.44.dev20260713+nightly
codegen_flags: <defaults>
</compile_context>

<pallas_src>
import functools

import jax
import jax.numpy as jnp
from jax import lax
from jax.experimental import pallas as pl
from jax.experimental.pallas import tpu as pltpu
from jax.experimental.pallas import tpu_sc as plsc

F0 = 67081
F1 = 259
H1, H2, H3 = 3, 3 * F1, 3 * F0
HK = H1 + H2 + H3
L = 1048576
NCH = 17
HB = 262144
NHALO_BLKS = 67
NOUT = NCH * L

NSMP = 500000
NW = 32
BWR = 15624
BWL = NSMP - 31 * BWR
BWS = 15680

_SC_MESH = plsc.VectorSubcoreMesh(core_axis_name="c", subcore_axis_name="s")


def _flat_filter_body(a_ref, h_ref, o_ref):
    e = jnp.concatenate([a_ref[...], h_ref[0:HK]], axis=0)
    m1 = L + H3 + H2
    p = e[0:m1 + 2] + e[1:m1 + 3]
    a1 = p[0:m1] + p[2:m1 + 2]
    m2 = L + H3
    q = a1[0:m2 + 2 * F1] + a1[F1:m2 + 3 * F1]
    a2 = q[0:m2] + q[2 * F1:m2 + 2 * F1]
    r = a2[0:L + 2 * F0] + a2[F0:L + 3 * F0]
    o_ref[...] = r[0:L] + r[2 * F0:L + 2 * F0]


def _flat_filter(b_m):
    return pl.pallas_call(
        _flat_filter_body,
        grid=(NCH,),
        in_specs=[
            pl.BlockSpec((L,), lambda c: (c,)),
            pl.BlockSpec(
                (HB,),
                lambda c: (jnp.minimum(4 * (c + 1), NHALO_BLKS - 1),)),
        ],
        out_specs=pl.BlockSpec((L,), lambda c: (c,)),
        out_shape=jax.ShapeDtypeStruct((NOUT,), jnp.float32),
    )(b_m, b_m)


@functools.partial(
    pl.kernel,
    mesh=_SC_MESH,
    out_type=jax.ShapeDtypeStruct((NSMP,), jnp.int32),
    scratch_types=[
        pltpu.VMEM((BWS,), jnp.float32),
        pltpu.VMEM((BWS,), jnp.float32),
        pltpu.VMEM((BWS,), jnp.float32),
        pltpu.VMEM((BWS,), jnp.int32),
    ],
)
def _sc_index(x0h, x1h, x2h, idxh, x0v, x1v, x2v, idxv):
    wid = lax.axis_index("s") * 2 + lax.axis_index("c")
    base = wid * BWR
    last = wid == NW - 1

    @pl.when(jnp.logical_not(last))
    def _():
        pltpu.sync_copy(x0h.at[pl.ds(base, BWR)], x0v.at[pl.ds(0, BWR)])
        pltpu.sync_copy(x1h.at[pl.ds(base, BWR)], x1v.at[pl.ds(0, BWR)])
        pltpu.sync_copy(x2h.at[pl.ds(base, BWR)], x2v.at[pl.ds(0, BWR)])

    @pl.when(last)
    def _():
        pltpu.sync_copy(x0h.at[pl.ds(base, BWL)], x0v.at[pl.ds(0, BWL)])
        pltpu.sync_copy(x1h.at[pl.ds(base, BWL)], x1v.at[pl.ds(0, BWL)])
        pltpu.sync_copy(x2h.at[pl.ds(base, BWL)], x2v.at[pl.ds(0, BWL)])

    def body(i, carry):
        for u in range(4):
            sl = pl.ds(i * 64 + u * 16, 16)
            i0 = (x0v[sl] * 256.0).astype(jnp.int32)
            i1 = (x1v[sl] * 256.0).astype(jnp.int32)
            i2 = (x2v[sl] * 256.0).astype(jnp.int32)
            idxv[sl] = i0 * F0 + i1 * F1 + i2
        return carry

    lax.fori_loop(0, BWS // 64, body, 0)

    @pl.when(jnp.logical_not(last))
    def _():
        pltpu.sync_copy(idxv.at[pl.ds(0, BWR)], idxh.at[pl.ds(base, BWR)])

    @pl.when(last)
    def _():
        pltpu.sync_copy(idxv.at[pl.ds(0, BWL)], idxh.at[pl.ds(base, BWL)])


@functools.partial(
    pl.kernel,
    mesh=_SC_MESH,
    out_type=jax.ShapeDtypeStruct((NSMP,), jnp.float32),
    scratch_types=[
        pltpu.VMEM((BWS,), jnp.int32),
        pltpu.VMEM((BWS,), jnp.float32),
        pltpu.SemaphoreType.DMA,
    ],
)
def _sc_gather(idxh, ah, yh, idxv, rowv, sem):
    wid = lax.axis_index("s") * 2 + lax.axis_index("c")
    base = wid * BWR

    def one(n):
        pltpu.sync_copy(idxh.at[pl.ds(base, n)], idxv.at[pl.ds(0, n)])
        pltpu.async_copy(
            ah.at[idxv.at[pl.ds(0, n)]], rowv.at[pl.ds(0, n)], sem).wait()
        pltpu.sync_copy(rowv.at[pl.ds(0, n)], yh.at[pl.ds(base, n)])

    @pl.when(wid != NW - 1)
    def _():
        one(BWR)

    @pl.when(wid == NW - 1)
    def _():
        one(BWL)


def kernel(x, b_m):
    idx = _sc_index(x[:, 0], x[:, 1], x[:, 2])
    a3 = _flat_filter(b_m)
    yp = _sc_gather(idx, a3)
    return yp.reshape(NSMP, 1)

# --- scband reference (transcript-rebuilt; emitter-appended) ---
"""Pipeline reference for scband-dense-hypercube-53171695125388 (READ-ONLY COPY).

The authoritative reference and input builder live on the scoring server;
editing this copy changes nothing except your own understanding.
"""

import jax, jax.numpy as jnp
import numpy as np

N_DIV = np.array([256, 256, 256], dtype=np.int64)
N_SIDE = np.array([4, 4, 4], dtype=np.int64)
DIM_RANGES = np.array([[0.0, 1.0], [0.0, 1.0], [0.0, 1.0]], dtype=np.float64)


def _build_consts():
    n_dims = DIM_RANGES.shape[0]
    div_widths = (DIM_RANGES[:, 1] - DIM_RANGES[:, 0]) / N_DIV
    dim_order = np.argsort(N_SIDE, kind='stable')
    n_bump_per_dim = (N_DIV + N_SIDE - 1)[dim_order]
    n_side = N_SIDE[dim_order]
    dim_factors = np.ones(n_dims, dtype=np.int64)
    for d in range(n_dims - 2, -1, -1):
        dim_factors[d] = dim_factors[d + 1] * n_bump_per_dim[d + 1]
    grids = np.indices(tuple(int(s) for s in n_side))
    offsets = np.zeros(int(np.prod(n_side)), dtype=np.int64)
    for d in range(n_dims):
        offsets = offsets + grids[d].ravel().astype(np.int64) * dim_factors[d]
    n_bump_fcns = int(np.prod(n_bump_per_dim))
    return div_widths, dim_order, dim_factors, offsets, n_bump_fcns


def setup_inputs(seed: int = 0):
    key = jax.random.key(seed)
    k1, k2 = jax.random.split(key)
    x = jax.random.uniform(k1, (500000, 3), dtype=jnp.float32)
    _, _, _, _, n_bump = _build_consts()
    b_m = jax.random.normal(k2, (n_bump,), dtype=jnp.float32) * 0.02
    return {"x": x, "b_m": b_m}


def reference(x, b_m):
    div_widths, dim_order, dim_factors, offsets, _ = _build_consts()
    div_widths_j = jnp.asarray(div_widths, dtype=jnp.float32)
    min_r = jnp.asarray(DIM_RANGES[:, 0], dtype=jnp.float32)
    dim_order_j = jnp.asarray(dim_order.astype(np.int32))
    dim_factors_j = jnp.asarray(dim_factors.astype(np.int32))
    offsets_j = jnp.asarray(offsets.astype(np.int32))
    n_smps = x.shape[0]
    dim_div_inds = jnp.floor((x - min_r) / div_widths_j).astype(jnp.int32)
    dim_div_inds = dim_div_inds[:, dim_order_j]
    dim_first = jnp.sum(dim_div_inds * dim_factors_j, axis=1).reshape(n_smps, 1)
    idx = dim_first + offsets_j[None, :]
    y = jnp.sum(jnp.take(b_m, idx, axis=0), axis=1).reshape(n_smps, 1)
    return y

if __name__ == "__main__":
    import jax
    _d = setup_inputs()
    print(jax.jit(kernel)(*tuple(_d.values())))

</pallas_src>

<mosaic_0001>
#map = affine_map<(d0, d1) -> (0)>
module attributes {stable_mosaic.version = 14 : i64} {
  func.func @_sc_index(%arg0: i32, %arg1: i32, %arg2: memref<500000xf32, #tpu.memory_space<hbm>>, %arg3: memref<500000xf32, #tpu.memory_space<hbm>>, %arg4: memref<500000xf32, #tpu.memory_space<hbm>>, %arg5: memref<500000xi32, #tpu.memory_space<hbm>>, %arg6: memref<15680xf32, #tpu.memory_space<vmem>>, %arg7: memref<15680xf32, #tpu.memory_space<vmem>>, %arg8: memref<15680xf32, #tpu.memory_space<vmem>>, %arg9: memref<15680xi32, #tpu.memory_space<vmem>>) attributes {dimension_semantics = [#tpu.dimension_semantics<core_parallel>, #tpu.dimension_semantics<subcore_parallel>], iteration_bounds = array<i64: 2, 16>, scalar_prefetch = 0 : i64, scratch_operands = 4 : i64, tpu.core_type = #tpu.core_type<sc_vector_subcore>, window_params = [{transform_indices = #map}, {transform_indices = #map}, {transform_indices = #map}, {transform_indices = #map}]} {
    %mul3A = arith.constant 2 : i32
    %mul3A_0 = arith.muli %arg1, %mul3A : i32
    %add3A = arith.addi %mul3A_0, %arg0 : i32
    %mul3A_1 = arith.constant 15624 : i32
    %mul3A_2 = arith.muli %add3A, %mul3A_1 : i32
    %eq3A = arith.constant 31 : i32
    %eq3A_3 = arith.cmpi eq, %add3A, %eq3A : i32
    %not3A = arith.constant true
    %not3A_4 = arith.xori %eq3A_3, %not3A : i1
    %convert_element_type3A = arith.extui %not3A_4 : i1 to i32
    %cond3A = arith.constant 0 : i32
    %cond3A_5 = arith.cmpi ne, %convert_element_type3A, %cond3A : i32
    scf.if %cond3A_5 {
      "tpu.region"() ({
        %run_scoped3A = tpu.sem_alloc : memref<!tpu.dma_semaphore, #tpu.memory_space<semaphore_mem>>
        %dma_start3A = arith.constant 0 : i32
        %dma_start3A_22 = tpu.memref_slice %arg6[%dma_start3A] : memref<15680xf32, #tpu.memory_space<vmem>> -> memref<15624xf32, #tpu.memory_space<vmem>>
        %dma_start3A_23 = tpu.memref_slice %arg2[%mul3A_2] : memref<500000xf32, #tpu.memory_space<hbm>> -> memref<15624xf32, #tpu.memory_space<hbm>>
        %dma_start3A_24 = arith.constant 0 : i32
        %dma_start3A_25 = tpu.memref_slice %arg6[%dma_start3A_24] : memref<15680xf32, #tpu.memory_space<vmem>> -> memref<15624xf32, #tpu.memory_space<vmem>>
        %dma_start3A_26 = tpu.memref_slice %arg2[%mul3A_2] : memref<500000xf32, #tpu.memory_space<hbm>> -> memref<15624xf32, #tpu.memory_space<hbm>>
        tpu.enqueue_dma source(%dma_start3A_26 : memref<15624xf32, #tpu.memory_space<hbm>>) target(%dma_start3A_25 : memref<15624xf32, #tpu.memory_space<vmem>>) target_semaphore(%run_scoped3A : memref<!tpu.dma_semaphore, #tpu.memory_space<semaphore_mem>>)
        %dma_wait3A = arith.constant 0 : i32
        %dma_wait3A_27 = tpu.memref_slice %arg6[%dma_wait3A] : memref<15680xf32, #tpu.memory_space<vmem>> -> memref<15624xf32, #tpu.memory_space<vmem>>
        %dma_wait3A_28 = tpu.memref_slice %arg2[%mul3A_2] : memref<500000xf32, #tpu.memory_space<hbm>> -> memref<15624xf32, #tpu.memory_space<hbm>>
        %dma_wait3A_29 = arith.constant 0 : i32
        %dma_wait3A_30 = tpu.memref_slice %arg6[%dma_wait3A_29] : memref<15680xf32, #tpu.memory_space<vmem>> -> memref<15624xf32, #tpu.memory_space<vmem>>
        %dma_wait3A_31 = tpu.memref_slice %arg2[%mul3A_2] : memref<500000xf32, #tpu.memory_space<hbm>> -> memref<15624xf32, #tpu.memory_space<hbm>>
        tpu.wait_dma2 semaphore(%run_scoped3A : memref<!tpu.dma_semaphore, #tpu.memory_space<semaphore_mem>>) src(%dma_wait3A_31 : memref<15624xf32, #tpu.memory_space<hbm>>) dst(%dma_wait3A_30 : memref<15624xf32, #tpu.memory_space<vmem>>)
        tpu.yield
      }) : () -> ()
      "tpu.region"() ({
        %run_scoped3A = tpu.sem_alloc : memref<!tpu.dma_semaphore, #tpu.memory_space<semaphore_mem>>
        %dma_start3A = arith.constant 0 : i32
        %dma_start3A_22 = tpu.memref_slice %arg7[%dma_start3A] : memref<15680xf32, #tpu.memory_space<vmem>> -> memref<15624xf32, #tpu.memory_space<vmem>>
        %dma_start3A_23 = tpu.memref_slice %arg3[%mul3A_2] : memref<500000xf32, #tpu.memory_space<hbm>> -> memref<15624xf32, #tpu.memory_space<hbm>>
        %dma_start3A_24 = arith.constant 0 : i32
        %dma_start3A_25 = tpu.memref_slice %arg7[%dma_start3A_24] : memref<15680xf32, #tpu.memory_space<vmem>> -> memref<15624xf32, #tpu.memory_space<vmem>>
        %dma_start3A_26 = tpu.memref_slice %arg3[%mul3A_2] : memref<500000xf32, #tpu.memory_space<hbm>> -> memref<15624xf32, #tpu.memory_space<hbm>>
        tpu.enqueue_dma source(%dma_start3A_26 : memref<15624xf32, #tpu.memory_space<hbm>>) target(%dma_start3A_25 : memref<15624xf32, #tpu.memory_space<vmem>>) target_semaphore(%run_scoped3A : memref<!tpu.dma_semaphore, #tpu.memory_space<semaphore_mem>>)
        %dma_wait3A = arith.constant 0 : i32
        %dma_wait3A_27 = tpu.memref_slice %arg7[%dma_wait3A] : memref<15680xf32, #tpu.memory_space<vmem>> -> memref<15624xf32, #tpu.memory_space<vmem>>
        %dma_wait3A_28 = tpu.memref_slice %arg3[%mul3A_2] : memref<500000xf32, #tpu.memory_space<hbm>> -> memref<15624xf32, #tpu.memory_space<hbm>>
        %dma_wait3A_29 = arith.constant 0 : i32
        %dma_wait3A_30 = tpu.memref_slice %arg7[%dma_wait3A_29] : memref<15680xf32, #tpu.memory_space<vmem>> -> memref<15624xf32, #tpu.memory_space<vmem>>
        %dma_wait3A_31 = tpu.memref_slice %arg3[%mul3A_2] : memref<500000xf32, #tpu.memory_space<hbm>> -> memref<15624xf32, #tpu.memory_space<hbm>>
        tpu.wait_dma2 semaphore(%run_scoped3A : memref<!tpu.dma_semaphore, #tpu.memory_space<semaphore_mem>>) src(%dma_wait3A_31 : memref<15624xf32, #tpu.memory_space<hbm>>) dst(%dma_wait3A_30 : memref<15624xf32, #tpu.memory_space<vmem>>)
        tpu.yield
      }) : () -> ()
      "tpu.region"() ({
        %run_scoped3A = tpu.sem_alloc : memref<!tpu.dma_semaphore, #tpu.memory_space<semaphore_mem>>
        %dma_start3A = arith.constant 0 : i32
        %dma_start3A_22 = tpu.memref_slice %arg8[%dma_start3A] : memref<15680xf32, #tpu.memory_space<vmem>> -> memref<15624xf32, #tpu.memory_space<vmem>>
        %dma_start3A_23 = tpu.memref_slice %arg4[%mul3A_2] : memref<500000xf32, #tpu.memory_space<hbm>> -> memref<15624xf32, #tpu.memory_space<hbm>>
        %dma_start3A_24 = arith.constant 0 : i32
        %dma_start3A_25 = tpu.memref_slice %arg8[%dma_start3A_24] : memref<15680xf32, #tpu.memory_space<vmem>> -> memref<15624xf32, #tpu.memory_space<vmem>>
        %dma_start3A_26 = tpu.memref_slice %arg4[%mul3A_2] : memref<500000xf32, #tpu.memory_space<hbm>> -> memref<15624xf32, #tpu.memory_space<hbm>>
        tpu.enqueue_dma source(%dma_start3A_26 : memref<15624xf32, #tpu.memory_space<hbm>>) target(%dma_start3A_25 : memref<15624xf32, #tpu.memory_space<vmem>>) target_semaphore(%run_scoped3A : memref<!tpu.dma_semaphore, #tpu.memory_space<semaphore_mem>>)
        %dma_wait3A = arith.constant 0 : i32
        %dma_wait3A_27 = tpu.memref_slice %arg8[%dma_wait3A] : memref<15680xf32, #tpu.memory_space<vmem>> -> memref<15624xf32, #tpu.memory_space<vmem>>
        %dma_wait3A_28 = tpu.memref_slice %arg4[%mul3A_2] : memref<500000xf32, #tpu.memory_space<hbm>> -> memref<15624xf32, #tpu.memory_space<hbm>>
        %dma_wait3A_29 = arith.constant 0 : i32
        %dma_wait3A_30 = tpu.memref_slice %arg8[%dma_wait3A_29] : memref<15680xf32, #tpu.memory_space<vmem>> -> memref<15624xf32, #tpu.memory_space<vmem>>
        %dma_wait3A_31 = tpu.memref_slice %arg4[%mul3A_2] : memref<500000xf32, #tpu.memory_space<hbm>> -> memref<15624xf32, #tpu.memory_space<hbm>>
        tpu.wait_dma2 semaphore(%run_scoped3A : memref<!tpu.dma_semaphore, #tpu.memory_space<semaphore_mem>>) src(%dma_wait3A_31 : memref<15624xf32, #tpu.memory_space<hbm>>) dst(%dma_wait3A_30 : memref<15624xf32, #tpu.memory_space<vmem>>)
        tpu.yield
      }) : () -> ()
    } else {
    }
    %convert_element_type3A_6 = arith.extui %eq3A_3 : i1 to i32
    %cond3A_7 = arith.constant 0 : i32
    %cond3A_8 = arith.cmpi ne, %convert_element_type3A_6, %cond3A_7 : i32
    scf.if %cond3A_8 {
      "tpu.region"() ({
        %run_scoped3A = tpu.sem_alloc : memref<!tpu.dma_semaphore, #tpu.memory_space<semaphore_mem>>
        %dma_start3A = arith.constant 0 : i32
        %dma_start3A_22 = tpu.memref_slice %arg6[%dma_start3A] : memref<15680xf32, #tpu.memory_space<vmem>> -> memref<15656xf32, #tpu.memory_space<vmem>>
        %dma_start3A_23 = tpu.memref_slice %arg2[%mul3A_2] : memref<500000xf32, #tpu.memory_space<hbm>> -> memref<15656xf32, #tpu.memory_space<hbm>>
        %dma_start3A_24 = arith.constant 0 : i32
        %dma_start3A_25 = tpu.memref_slice %arg6[%dma_start3A_24] : memref<15680xf32, #tpu.memory_space<vmem>> -> memref<15656xf32, #tpu.memory_space<vmem>>
        %dma_start3A_26 = tpu.memref_slice %arg2[%mul3A_2] : memref<500000xf32, #tpu.memory_space<hbm>> -> memref<15656xf32, #tpu.memory_space<hbm>>
        tpu.enqueue_dma source(%dma_start3A_26 : memref<15656xf32, #tpu.memory_space<hbm>>) target(%dma_start3A_25 : memref<15656xf32, #tpu.memory_space<vmem>>) target_semaphore(%run_scoped3A : memref<!tpu.dma_semaphore, #tpu.memory_space<semaphore_mem>>)
        %dma_wait3A = arith.constant 0 : i32
        %dma_wait3A_27 = tpu.memref_slice %arg6[%dma_wait3A] : memref<15680xf32, #tpu.memory_space<vmem>> -> memref<15656xf32, #tpu.memory_space<vmem>>
        %dma_wait3A_28 = tpu.memref_slice %arg2[%mul3A_2] : memref<500000xf32, #tpu.memory_space<hbm>> -> memref<15656xf32, #tpu.memory_space<hbm>>
        %dma_wait3A_29 = arith.constant 0 : i32
        %dma_wait3A_30 = tpu.memref_slice %arg6[%dma_wait3A_29] : memref<15680xf32, #tpu.memory_space<vmem>> -> memref<15656xf32, #tpu.memory_space<vmem>>
        %dma_wait3A_31 = tpu.memref_slice %arg2[%mul3A_2] : memref<500000xf32, #tpu.memory_space<hbm>> -> memref<15656xf32, #tpu.memory_space<hbm>>
        tpu.wait_dma2 semaphore(%run_scoped3A : memref<!tpu.dma_semaphore, #tpu.memory_space<semaphore_mem>>) src(%dma_wait3A_31 : memref<15656xf32, #tpu.memory_space<hbm>>) dst(%dma_wait3A_30 : memref<15656xf32, #tpu.memory_space<vmem>>)
        tpu.yield
      }) : () -> ()
      "tpu.region"() ({
        %run_scoped3A = tpu.sem_alloc : memref<!tpu.dma_semaphore, #tpu.memory_space<semaphore_mem>>
        %dma_start3A = arith.constant 0 : i32
        %dma_start3A_22 = tpu.memref_slice %arg7[%dma_start3A] : memref<15680xf32, #tpu.memory_space<vmem>> -> memref<15656xf32, #tpu.memory_space<vmem>>
        %dma_start3A_23 = tpu.memref_slice %arg3[%mul3A_2] : memref<500000xf32, #tpu.memory_space<hbm>> -> memref<15656xf32, #tpu.memory_space<hbm>>
        %dma_start3A_24 = arith.constant 0 : i32
        %dma_start3A_25 = tpu.memref_slice %arg7[%dma_start3A_24] : memref<15680xf32, #tpu.memory_space<vmem>> -> memref<15656xf32, #tpu.memory_space<vmem>>
        %dma_start3A_26 = tpu.memref_slice %arg3[%mul3A_2] : memref<500000xf32, #tpu.memory_space<hbm>> -> memref<15656xf32, #tpu.memory_space<hbm>>
        tpu.enqueue_dma source(%dma_start3A_26 : memref<15656xf32, #tpu.memory_space<hbm>>) target(%dma_start3A_25 : memref<15656xf32, #tpu.memory_space<vmem>>) target_semaphore(%run_scoped3A : memref<!tpu.dma_semaphore, #tpu.memory_space<semaphore_mem>>)
        %dma_wait3A = arith.constant 0 : i32
        %dma_wait3A_27 = tpu.memref_slice %arg7[%dma_wait3A] : memref<15680xf32, #tpu.memory_space<vmem>> -> memref<15656xf32, #tpu.memory_space<vmem>>
        %dma_wait3A_28 = tpu.memref_slice %arg3[%mul3A_2] : memref<500000xf32, #tpu.memory_space<hbm>> -> memref<15656xf32, #tpu.memory_space<hbm>>
        %dma_wait3A_29 = arith.constant 0 : i32
        %dma_wait3A_30 = tpu.memref_slice %arg7[%dma_wait3A_29] : memref<15680xf32, #tpu.memory_space<vmem>> -> memref<15656xf32, #tpu.memory_space<vmem>>
        %dma_wait3A_31 = tpu.memref_slice %arg3[%mul3A_2] : memref<500000xf32, #tpu.memory_space<hbm>> -> memref<15656xf32, #tpu.memory_space<hbm>>
        tpu.wait_dma2 semaphore(%run_scoped3A : memref<!tpu.dma_semaphore, #tpu.memory_space<semaphore_mem>>) src(%dma_wait3A_31 : memref<15656xf32, #tpu.memory_space<hbm>>) dst(%dma_wait3A_30 : memref<15656xf32, #tpu.memory_space<vmem>>)
        tpu.yield
      }) : () -> ()
      "tpu.region"() ({
        %run_scoped3A = tpu.sem_alloc : memref<!tpu.dma_semaphore, #tpu.memory_space<semaphore_mem>>
        %dma_start3A = arith.constant 0 : i32
        %dma_start3A_22 = tpu.memref_slice %arg8[%dma_start3A] : memref<15680xf32, #tpu.memory_space<vmem>> -> memref<15656xf32, #tpu.memory_space<vmem>>
        %dma_start3A_23 = tpu.memref_slice %arg4[%mul3A_2] : memref<500000xf32, #tpu.memory_space<hbm>> -> memref<15656xf32, #tpu.memory_space<hbm>>
        %dma_start3A_24 = arith.constant 0 : i32
        %dma_start3A_25 = tpu.memref_slice %arg8[%dma_start3A_24] : memref<15680xf32, #tpu.memory_space<vmem>> -> memref<15656xf32, #tpu.memory_space<vmem>>
        %dma_start3A_26 = tpu.memref_slice %arg4[%mul3A_2] : memref<500000xf32, #tpu.memory_space<hbm>> -> memref<15656xf32, #tpu.memory_space<hbm>>
        tpu.enqueue_dma source(%dma_start3A_26 : memref<15656xf32, #tpu.memory_space<hbm>>) target(%dma_start3A_25 : memref<15656xf32, #tpu.memory_space<vmem>>) target_semaphore(%run_scoped3A : memref<!tpu.dma_semaphore, #tpu.memory_space<semaphore_mem>>)
        %dma_wait3A = arith.constant 0 : i32
        %dma_wait3A_27 = tpu.memref_slice %arg8[%dma_wait3A] : memref<15680xf32, #tpu.memory_space<vmem>> -> memref<15656xf32, #tpu.memory_space<vmem>>
        %dma_wait3A_28 = tpu.memref_slice %arg4[%mul3A_2] : memref<500000xf32, #tpu.memory_space<hbm>> -> memref<15656xf32, #tpu.memory_space<hbm>>
        %dma_wait3A_29 = arith.constant 0 : i32
        %dma_wait3A_30 = tpu.memref_slice %arg8[%dma_wait3A_29] : memref<15680xf32, #tpu.memory_space<vmem>> -> memref<15656xf32, #tpu.memory_space<vmem>>
        %dma_wait3A_31 = tpu.memref_slice %arg4[%mul3A_2] : memref<500000xf32, #tpu.memory_space<hbm>> -> memref<15656xf32, #tpu.memory_space<hbm>>
        tpu.wait_dma2 semaphore(%run_scoped3A : memref<!tpu.dma_semaphore, #tpu.memory_space<semaphore_mem>>) src(%dma_wait3A_31 : memref<15656xf32, #tpu.memory_space<hbm>>) dst(%dma_wait3A_30 : memref<15656xf32, #tpu.memory_space<vmem>>)
        tpu.yield
      }) : () -> ()
    } else {
    }
    %scan3A = arith.constant 0 : i32
    %scan3A_9 = arith.constant 0 : i32
    %scan3A_10 = arith.constant 245 : i32
    %scan3A_11 = arith.addi %scan3A_9, %scan3A_10 : i32
    %scan3A_12 = arith.constant 1 : i32
    scf.for %scan3A_22 = %scan3A_9 to %scan3A_11 step %scan3A_12  : i32 {
      %mul3A_23 = arith.constant 64 : i32
      %mul3A_24 = arith.muli %scan3A_22, %mul3A_23 : i32
      %add3A_25 = arith.constant 0 : i32
      %add3A_26 = arith.addi %mul3A_24, %add3A_25 : i32
      %get3A = arith.index_cast %add3A_26 : i32 to index
      %get3A_27 = tpu.vector_load %arg6[%get3A] {strides = array<i32>} : memref<15680xf32, #tpu.memory_space<vmem>>, vector<16xf32>,
      %get3A_28 = vector.shape_cast %get3A_27 : vector<16xf32> to vector<16xf32>
      %mul3A_29 = arith.constant 2.560000e+02 : f32
      %mul3A_30 = vector.broadcast %mul3A_29 : f32 to vector<16xf32>
      %mul3A_31 = arith.mulf %get3A_28, %mul3A_30 : vector<16xf32>
      %convert_element_type3A_32 = arith.fptosi %mul3A_31 : vector<16xf32> to vector<16xi32>
      %get3A_33 = arith.index_cast %add3A_26 : i32 to index
      %get3A_34 = tpu.vector_load %arg7[%get3A_33] {strides = array<i32>} : memref<15680xf32, #tpu.memory_space<vmem>>, vector<16xf32>,
      %get3A_35 = vector.shape_cast %get3A_34 : vector<16xf32> to vector<16xf32>
      %mul3A_36 = arith.constant 2.560000e+02 : f32
      %mul3A_37 = vector.broadcast %mul3A_36 : f32 to vector<16xf32>
      %mul3A_38 = arith.mulf %get3A_35, %mul3A_37 : vector<16xf32>
      %convert_element_type3A_39 = arith.fptosi %mul3A_38 : vector<16xf32> to vector<16xi32>
      %get3A_40 = arith.index_cast %add3A_26 : i32 to index
      %get3A_41 = tpu.vector_load %arg8[%get3A_40] {strides = array<i32>} : memref<15680xf32, #tpu.memory_space<vmem>>, vector<16xf32>,
      %get3A_42 = vector.shape_cast %get3A_41 : vector<16xf32> to vector<16xf32>
      %mul3A_43 = arith.constant 2.560000e+02 : f32
      %mul3A_44 = vector.broadcast %mul3A_43 : f32 to vector<16xf32>
      %mul3A_45 = arith.mulf %get3A_42, %mul3A_44 : vector<16xf32>
      %convert_element_type3A_46 = arith.fptosi %mul3A_45 : vector<16xf32> to vector<16xi32>
      %mul3A_47 = arith.constant 67081 : i32
      %mul3A_48 = vector.broadcast %mul3A_47 : i32 to vector<16xi32>
      %mul3A_49 = arith.muli %convert_element_type3A_32, %mul3A_48 : vector<16xi32>
      %mul3A_50 = arith.constant 259 : i32
      %mul3A_51 = vector.broadcast %mul3A_50 : i32 to vector<16xi32>
      %mul3A_52 = arith.muli %convert_element_type3A_39, %mul3A_51 : vector<16xi32>
      %add3A_53 = arith.addi %mul3A_49, %mul3A_52 : vector<16xi32>
      %add3A_54 = arith.addi %add3A_53, %convert_element_type3A_46 : vector<16xi32>
      %swap3A = arith.index_cast %add3A_26 : i32 to index
      %swap3A_55 = tpu.vector_load %arg9[%swap3A] {strides = array<i32>} : memref<15680xi32, #tpu.memory_space<vmem>>, vector<16xi32>,
      %swap3A_56 = vector.shape_cast %swap3A_55 : vector<16xi32> to vector<16xi32>
      %swap3A_57 = vector.shape_cast %add3A_54 : vector<16xi32> to vector<16xi32>
      tpu.vector_store %arg9[%swap3A], %swap3A_57 {strides = array<i32>} : memref<15680xi32, #tpu.memory_space<vmem>>, vector<16xi32>,
      %mul3A_58 = arith.constant 64 : i32
      %mul3A_59 = arith.muli %scan3A_22, %mul3A_58 : i32
      %add3A_60 = arith.constant 16 : i32
      %add3A_61 = arith.addi %mul3A_59, %add3A_60 : i32
      %get3A_62 = arith.index_cast %add3A_61 : i32 to index
      %get3A_63 = tpu.vector_load %arg6[%get3A_62] {strides = array<i32>} : memref<15680xf32, #tpu.memory_space<vmem>>, vector<16xf32>,
      %get3A_64 = vector.shape_cast %get3A_63 : vector<16xf32> to vector<16xf32>
      %mul3A_65 = arith.constant 2.560000e+02 : f32
      %mul3A_66 = vector.broadcast %mul3A_65 : f32 to vector<16xf32>
      %mul3A_67 = arith.mulf %get3A_64, %mul3A_66 : vector<16xf32>
      %convert_element_type3A_68 = arith.fptosi %mul3A_67 : vector<16xf32> to vector<16xi32>
      %get3A_69 = arith.index_cast %add3A_61 : i32 to index
      %get3A_70 = tpu.vector_load %arg7[%get3A_69] {strides = array<i32>} : memref<15680xf32, #tpu.memory_space<vmem>>, vector<16xf32>,
      %get3A_71 = vector.shape_cast %get3A_70 : vector<16xf32> to vector<16xf32>
      %mul3A_72 = arith.constant 2.560000e+02 : f32
      %mul3A_73 = vector.broadcast %mul3A_72 : f32 to vector<16xf32>
      %mul3A_74 = arith.mulf %get3A_71, %mul3A_73 : vector<16xf32>
      %convert_element_type3A_75 = arith.fptosi %mul3A_74 : vector<16xf32> to vector<16xi32>
      %get3A_76 = arith.index_cast %add3A_61 : i32 to index
      %get3A_77 = tpu.vector_load %arg8[%get3A_76] {strides = array<i32>} : memref<15680xf32, #tpu.memory_space<vmem>>, vector<16xf32>,
      %get3A_78 = vector.shape_cast %get3A_77 : vector<16xf32> to vector<16xf32>
      %mul3A_79 = arith.constant 2.560000e+02 : f32
      %mul3A_80 = vector.broadcast %mul3A_79 : f32 to vector<16xf32>
      %mul3A_81 = arith.mulf %get3A_78, %mul3A_80 : vector<16xf32>
      %convert_element_type3A_82 = arith.fptosi %mul3A_81 : vector<16xf32> to vector<16xi32>
      %mul3A_83 = arith.constant 67081 : i32
      %mul3A_84 = vector.broadcast %mul3A_83 : i32 to vector<16xi32>
      %mul3A_85 = arith.muli %convert_element_type3A_68, %mul3A_84 : vector<16xi32>
      %mul3A_86 = arith.constant 259 : i32
      %mul3A_87 = vector.broadcast %mul3A_86 : i32 to vector<16xi32>
      %mul3A_88 = arith.muli %convert_element_type3A_75, %mul3A_87 : vector<16xi32>
      %add3A_89 = arith.addi %mul3A_85, %mul3A_88 : vector<16xi32>
      %add3A_90 = arith.addi %add3A_89, %convert_element_type3A_82 : vector<16xi32>
      %swap3A_91 = arith.index_cast %add3A_61 : i32 to index
      %swap3A_92 = tpu.vector_load %arg9[%swap3A_91] {strides = array<i32>} : memref<15680xi32, #tpu.memory_space<vmem>>, vector<16xi32>,
      %swap3A_93 = vector.shape_cast %swap3A_92 : vector<16xi32> to vector<16xi32>
      %swap3A_94 = vector.shape_cast %add3A_90 : vector<16xi32> to vector<16xi32>
      tpu.vector_store %arg9[%swap3A_91], %swap3A_94 {strides = array<i32>} : memref<15680xi32, #tpu.memory_space<vmem>>, vector<16xi32>,
      %mul3A_95 = arith.constant 64 : i32
      %mul3A_96 = arith.muli %scan3A_22, %mul3A_95 : i32
      %add3A_97 = arith.constant 32 : i32
      %add3A_98 = arith.addi %mul3A_96, %add3A_97 : i32
      %get3A_99 = arith.index_cast %add3A_98 : i32 to index
      %get3A_100 = tpu.vector_load %arg6[%get3A_99] {strides = array<i32>} : memref<15680xf32, #tpu.memory_space<vmem>>, vector<16xf32>,
      %get3A_101 = vector.shape_cast %get3A_100 : vector<16xf32> to vector<16xf32>
      %mul3A_102 = arith.constant 2.560000e+02 : f32
      %mul3A_103 = vector.broadcast %mul3A_102 : f32 to vector<16xf32>
      %mul3A_104 = arith.mulf %get3A_101, %mul3A_103 : vector<16xf32>
      %convert_element_type3A_105 = arith.fptosi %mul3A_104 : vector<16xf32> to vector<16xi32>
      %get3A_106 = arith.index_cast %add3A_98 : i32 to index
      %get3A_107 = tpu.vector_load %arg7[%get3A_106] {strides = array<i32>} : memref<15680xf32, #tpu.memory_space<vmem>>, vector<16xf32>,
      %get3A_108 = vector.shape_cast %get3A_107 : vector<16xf32> to vector<16xf32>
      %mul3A_109 = arith.constant 2.560000e+02 : f32
      %mul3A_110 = vector.broadcast %mul3A_109 : f32 to vector<16xf32>
      %mul3A_111 = arith.mulf %get3A_108, %mul3A_110 : vector<16xf32>
      %convert_element_type3A_112 = arith.fptosi %mul3A_111 : vector<16xf32> to vector<16xi32>
      %get3A_113 = arith.index_cast %add3A_98 : i32 to index
      %get3A_114 = tpu.vector_load %arg8[%get3A_113] {strides = array<i32>} : memref<15680xf32, #tpu.memory_space<vmem>>, vector<16xf32>,
      %get3A_115 = vector.shape_cast %get3A_114 : vector<16xf32> to vector<16xf32>
      %mul3A_116 = arith.constant 2.560000e+02 : f32
      %mul3A_117 = vector.broadcast %mul3A_116 : f32 to vector<16xf32>
      %mul3A_118 = arith.mulf %get3A_115, %mul3A_117 : vector<16xf32>
      %convert_element_type3A_119 = arith.fptosi %mul3A_118 : vector<16xf32> to vector<16xi32>
      %mul3A_120 = arith.constant 67081 : i32
      %mul3A_121 = vector.broadcast %mul3A_120 : i32 to vector<16xi32>
      %mul3A_122 = arith.muli %convert_element_type3A_105, %mul3A_121 : vector<16xi32>
      %mul3A_123 = arith.constant 259 : i32
      %mul3A_124 = vector.broadcast %mul3A_123 : i32 to vector<16xi32>
      %mul3A_125 = arith.muli %convert_element_type3A_112, %mul3A_124 : vector<16xi32>
      %add3A_126 = arith.addi %mul3A_122, %mul3A_125 : vector<16xi32>
      %add3A_127 = arith.addi %add3A_126, %convert_element_type3A_119 : vector<16xi32>
      %swap3A_128 = arith.index_cast %add3A_98 : i32 to index
      %swap3A_129 = tpu.vector_load %arg9[%swap3A_128] {strides = array<i32>} : memref<15680xi32, #tpu.memory_space<vmem>>, vector<16xi32>,
      %swap3A_130 = vector.shape_cast %swap3A_129 : vector<16xi32> to vector<16xi32>
      %swap3A_131 = vector.shape_cast %add3A_127 : vector<16xi32> to vector<16xi32>
      tpu.vector_store %arg9[%swap3A_128], %swap3A_131 {strides = array<i32>} : memref<15680xi32, #tpu.memory_space<vmem>>, vector<16xi32>,
      %mul3A_132 = arith.constant 64 : i32
      %mul3A_133 = arith.muli %scan3A_22, %mul3A_132 : i32
      %add3A_134 = arith.constant 48 : i32
      %add3A_135 = arith.addi %mul3A_133, %add3A_134 : i32
      %get3A_136 = arith.index_cast %add3A_135 : i32 to index
      %get3A_137 = tpu.vector_load %arg6[%get3A_136] {strides = array<i32>} : memref<15680xf32, #tpu.memory_space<vmem>>, vector<16xf32>,
      %get3A_138 = vector.shape_cast %get3A_137 : vector<16xf32> to vector<16xf32>
      %mul3A_139 = arith.constant 2.560000e+02 : f32
      %mul3A_140 = vector.broadcast %mul3A_139 : f32 to vector<16xf32>
      %mul3A_141 = arith.mulf %get3A_138, %mul3A_140 : vector<16xf32>
      %convert_element_type3A_142 = arith.fptosi %mul3A_141 : vector<16xf32> to vector<16xi32>
      %get3A_143 = arith.index_cast %add3A_135 : i32 to index
      %get3A_144 = tpu.vector_load %arg7[%get3A_143] {strides = array<i32>} : memref<15680xf32, #tpu.memory_space<vmem>>, vector<16xf32>,
      %get3A_145 = vector.shape_cast %get3A_144 : vector<16xf32> to vector<16xf32>
      %mul3A_146 = arith.constant 2.560000e+02 : f32
      %mul3A_147 = vector.broadcast %mul3A_146 : f32 to vector<16xf32>
      %mul3A_148 = arith.mulf %get3A_145, %mul3A_147 : vector<16xf32>
      %convert_element_type3A_149 = arith.fptosi %mul3A_148 : vector<16xf32> to vector<16xi32>
      %get3A_150 = arith.index_cast %add3A_135 : i32 to index
      %get3A_151 = tpu.vector_load %arg8[%get3A_150] {strides = array<i32>} : memref<15680xf32, #tpu.memory_space<vmem>>, vector<16xf32>,
      %get3A_152 = vector.shape_cast %get3A_151 : vector<16xf32> to vector<16xf32>
      %mul3A_153 = arith.constant 2.560000e+02 : f32
      %mul3A_154 = vector.broadcast %mul3A_153 : f32 to vector<16xf32>
      %mul3A_155 = arith.mulf %get3A_152, %mul3A_154 : vector<16xf32>
      %convert_element_type3A_156 = arith.fptosi %mul3A_155 : vector<16xf32> to vector<16xi32>
      %mul3A_157 = arith.constant 67081 : i32
      %mul3A_158 = vector.broadcast %mul3A_157 : i32 to vector<16xi32>
      %mul3A_159 = arith.muli %convert_element_type3A_142, %mul3A_158 : vector<16xi32>
      %mul3A_160 = arith.constant 259 : i32
      %mul3A_161 = vector.broadcast %mul3A_160 : i32 to vector<16xi32>
      %mul3A_162 = arith.muli %convert_element_type3A_149, %mul3A_161 : vector<16xi32>
      %add3A_163 = arith.addi %mul3A_159, %mul3A_162 : vector<16xi32>
      %add3A_164 = arith.addi %add3A_163, %convert_element_type3A_156 : vector<16xi32>
      %swap3A_165 = arith.index_cast %add3A_135 : i32 to index
      %swap3A_166 = tpu.vector_load %arg9[%swap3A_165] {strides = array<i32>} : memref<15680xi32, #tpu.memory_space<vmem>>, vector<16xi32>,
      %swap3A_167 = vector.shape_cast %swap3A_166 : vector<16xi32> to vector<16xi32>
      %swap3A_168 = vector.shape_cast %add3A_164 : vector<16xi32> to vector<16xi32>
      tpu.vector_store %arg9[%swap3A_165], %swap3A_168 {strides = array<i32>} : memref<15680xi32, #tpu.memory_space<vmem>>, vector<16xi32>,
    }
    %scan3A_13 = arith.constant 245 : i32
    %not3A_14 = arith.constant true
    %not3A_15 = arith.xori %eq3A_3, %not3A_14 : i1
    %convert_element_type3A_16 = arith.extui %not3A_15 : i1 to i32
    %cond3A_17 = arith.constant 0 : i32
    %cond3A_18 = arith.cmpi ne, %convert_element_type3A_16, %cond3A_17 : i32
    scf.if %cond3A_18 {
      "tpu.region"() ({
        %run_scoped3A = tpu.sem_alloc : memref<!tpu.dma_semaphore, #tpu.memory_space<semaphore_mem>>
        %dma_start3A = arith.constant 0 : i32
        %dma_start3A_22 = tpu.memref_slice %arg9[%dma_start3A] : memref<15680xi32, #tpu.memory_space<vmem>> -> memref<15624xi32, #tpu.memory_space<vmem>>
        %dma_start3A_23 = tpu.memref_slice %arg5[%mul3A_2] : memref<500000xi32, #tpu.memory_space<hbm>> -> memref<15624xi32, #tpu.memory_space<hbm>>
        %dma_start3A_24 = tpu.memref_slice %arg5[%mul3A_2] : memref<500000xi32, #tpu.memory_space<hbm>> -> memref<15624xi32, #tpu.memory_space<hbm>>
        %dma_start3A_25 = arith.constant 0 : i32
        %dma_start3A_26 = tpu.memref_slice %arg9[%dma_start3A_25] : memref<15680xi32, #tpu.memory_space<vmem>> -> memref<15624xi32, #tpu.memory_space<vmem>>
        tpu.enqueue_dma source(%dma_start3A_26 : memref<15624xi32, #tpu.memory_space<vmem>>) target(%dma_start3A_24 : memref<15624xi32, #tpu.memory_space<hbm>>) target_semaphore(%run_scoped3A : memref<!tpu.dma_semaphore, #tpu.memory_space<semaphore_mem>>)
        %dma_wait3A = arith.constant 0 : i32
        %dma_wait3A_27 = tpu.memref_slice %arg9[%dma_wait3A] : memref<15680xi32, #tpu.memory_space<vmem>> -> memref<15624xi32, #tpu.memory_space<vmem>>
        %dma_wait3A_28 = tpu.memref_slice %arg5[%mul3A_2] : memref<500000xi32, #tpu.memory_space<hbm>> -> memref<15624xi32, #tpu.memory_space<hbm>>
        %dma_wait3A_29 = tpu.memref_slice %arg5[%mul3A_2] : memref<500000xi32, #tpu.memory_space<hbm>> -> memref<15624xi32, #tpu.memory_space<hbm>>
        %dma_wait3A_30 = arith.constant 0 : i32
        %dma_wait3A_31 = tpu.memref_slice %arg9[%dma_wait3A_30] : memref<15680xi32, #tpu.memory_space<vmem>> -> memref<15624xi32, #tpu.memory_space<vmem>>
        tpu.wait_dma2 semaphore(%run_scoped3A : memref<!tpu.dma_semaphore, #tpu.memory_space<semaphore_mem>>) src(%dma_wait3A_31 : memref<15624xi32, #tpu.memory_space<vmem>>) dst(%dma_wait3A_29 : memref<15624xi32, #tpu.memory_space<hbm>>)
        tpu.yield
      }) : () -> ()
    } else {
    }
    %convert_element_type3A_19 = arith.extui %eq3A_3 : i1 to i32
    %cond3A_20 = arith.constant 0 : i32
    %cond3A_21 = arith.cmpi ne, %convert_element_type3A_19, %cond3A_20 : i32
    scf.if %cond3A_21 {
      "tpu.region"() ({
        %run_scoped3A = tpu.sem_alloc : memref<!tpu.dma_semaphore, #tpu.memory_space<semaphore_mem>>
        %dma_start3A = arith.constant 0 : i32
        %dma_start3A_22 = tpu.memref_slice %arg9[%dma_start3A] : memref<15680xi32, #tpu.memory_space<vmem>> -> memref<15656xi32, #tpu.memory_space<vmem>>
        %dma_start3A_23 = tpu.memref_slice %arg5[%mul3A_2] : memref<500000xi32, #tpu.memory_space<hbm>> -> memref<15656xi32, #tpu.memory_space<hbm>>
        %dma_start3A_24 = tpu.memref_slice %arg5[%mul3A_2] : memref<500000xi32, #tpu.memory_space<hbm>> -> memref<15656xi32, #tpu.memory_space<hbm>>
        %dma_start3A_25 = arith.constant 0 : i32
        %dma_start3A_26 = tpu.memref_slice %arg9[%dma_start3A_25] : memref<15680xi32, #tpu.memory_space<vmem>> -> memref<15656xi32, #tpu.memory_space<vmem>>
        tpu.enqueue_dma source(%dma_start3A_26 : memref<15656xi32, #tpu.memory_space<vmem>>) target(%dma_start3A_24 : memref<15656xi32, #tpu.memory_space<hbm>>) target_semaphore(%run_scoped3A : memref<!tpu.dma_semaphore, #tpu.memory_space<semaphore_mem>>)
        %dma_wait3A = arith.constant 0 : i32
        %dma_wait3A_27 = tpu.memref_slice %arg9[%dma_wait3A] : memref<15680xi32, #tpu.memory_space<vmem>> -> memref<15656xi32, #tpu.memory_space<vmem>>
        %dma_wait3A_28 = tpu.memref_slice %arg5[%mul3A_2] : memref<500000xi32, #tpu.memory_space<hbm>> -> memref<15656xi32, #tpu.memory_space<hbm>>
        %dma_wait3A_29 = tpu.memref_slice %arg5[%mul3A_2] : memref<500000xi32, #tpu.memory_space<hbm>> -> memref<15656xi32, #tpu.memory_space<hbm>>
        %dma_wait3A_30 = arith.constant 0 : i32
        %dma_wait3A_31 = tpu.memref_slice %arg9[%dma_wait3A_30] : memref<15680xi32, #tpu.memory_space<vmem>> -> memref<15656xi32, #tpu.memory_space<vmem>>
        tpu.wait_dma2 semaphore(%run_scoped3A : memref<!tpu.dma_semaphore, #tpu.memory_space<semaphore_mem>>) src(%dma_wait3A_31 : memref<15656xi32, #tpu.memory_space<vmem>>) dst(%dma_wait3A_29 : memref<15656xi32, #tpu.memory_space<hbm>>)
        tpu.yield
      }) : () -> ()
    } else {
    }
    return
  }
}

#map = affine_map<(d0, d1) -> (0)>
module attributes {stable_mosaic.version = 14 : i64} {
  func.func @_sc_gather(%arg0: i32, %arg1: i32, %arg2: memref<500000xi32, #tpu.memory_space<hbm>>, %arg3: memref<17825792xf32, #tpu.memory_space<hbm>>, %arg4: memref<500000xf32, #tpu.memory_space<hbm>>, %arg5: memref<15680xi32, #tpu.memory_space<vmem>>, %arg6: memref<15680xf32, #tpu.memory_space<vmem>>, %arg7: memref<!tpu.dma_semaphore, #tpu.memory_space<semaphore_mem>>) attributes {dimension_semantics = [#tpu.dimension_semantics<core_parallel>, #tpu.dimension_semantics<subcore_parallel>], iteration_bounds = array<i64: 2, 16>, scalar_prefetch = 0 : i64, scratch_operands = 3 : i64, tpu.core_type = #tpu.core_type<sc_vector_subcore>, window_params = [{transform_indices = #map}, {transform_indices = #map}, {transform_indices = #map}]} {
    %mul3A = arith.constant 2 : i32
    %mul3A_0 = arith.muli %arg1, %mul3A : i32
    %add3A = arith.addi %mul3A_0, %arg0 : i32
    %mul3A_1 = arith.constant 15624 : i32
    %mul3A_2 = arith.muli %add3A, %mul3A_1 : i32
    %ne3A = arith.constant 31 : i32
    %ne3A_3 = arith.cmpi ne, %add3A, %ne3A : i32
    %convert_element_type3A = arith.extui %ne3A_3 : i1 to i32
    %cond3A = arith.constant 0 : i32
    %cond3A_4 = arith.cmpi ne, %convert_element_type3A, %cond3A : i32
    scf.if %cond3A_4 {
      "tpu.region"() ({
        %run_scoped3A = tpu.sem_alloc : memref<!tpu.dma_semaphore, #tpu.memory_space<semaphore_mem>>
        %dma_start3A_19 = arith.constant 0 : i32
        %dma_start3A_20 = tpu.memref_slice %arg5[%dma_start3A_19] : memref<15680xi32, #tpu.memory_space<vmem>> -> memref<15624xi32, #tpu.memory_space<vmem>>
        %dma_start3A_21 = tpu.memref_slice %arg2[%mul3A_2] : memref<500000xi32, #tpu.memory_space<hbm>> -> memref<15624xi32, #tpu.memory_space<hbm>>
        %dma_start3A_22 = arith.constant 0 : i32
        %dma_start3A_23 = tpu.memref_slice %arg5[%dma_start3A_22] : memref<15680xi32, #tpu.memory_space<vmem>> -> memref<15624xi32, #tpu.memory_space<vmem>>
        %dma_start3A_24 = tpu.memref_slice %arg2[%mul3A_2] : memref<500000xi32, #tpu.memory_space<hbm>> -> memref<15624xi32, #tpu.memory_space<hbm>>
        tpu.enqueue_dma source(%dma_start3A_24 : memref<15624xi32, #tpu.memory_space<hbm>>) target(%dma_start3A_23 : memref<15624xi32, #tpu.memory_space<vmem>>) target_semaphore(%run_scoped3A : memref<!tpu.dma_semaphore, #tpu.memory_space<semaphore_mem>>)
        %dma_wait3A_25 = arith.constant 0 : i32
        %dma_wait3A_26 = tpu.memref_slice %arg5[%dma_wait3A_25] : memref<15680xi32, #tpu.memory_space<vmem>> -> memref<15624xi32, #tpu.memory_space<vmem>>
        %dma_wait3A_27 = tpu.memref_slice %arg2[%mul3A_2] : memref<500000xi32, #tpu.memory_space<hbm>> -> memref<15624xi32, #tpu.memory_space<hbm>>
        %dma_wait3A_28 = arith.constant 0 : i32
        %dma_wait3A_29 = tpu.memref_slice %arg5[%dma_wait3A_28] : memref<15680xi32, #tpu.memory_space<vmem>> -> memref<15624xi32, #tpu.memory_space<vmem>>
        %dma_wait3A_30 = tpu.memref_slice %arg2[%mul3A_2] : memref<500000xi32, #tpu.memory_space<hbm>> -> memref<15624xi32, #tpu.memory_space<hbm>>
        tpu.wait_dma2 semaphore(%run_scoped3A : memref<!tpu.dma_semaphore, #tpu.memory_space<semaphore_mem>>) src(%dma_wait3A_30 : memref<15624xi32, #tpu.memory_space<hbm>>) dst(%dma_wait3A_29 : memref<15624xi32, #tpu.memory_space<vmem>>)
        tpu.yield
      }) : () -> ()
      %dma_start3A = arith.constant 0 : i32
      %dma_start3A_9 = tpu.memref_slice %arg6[%dma_start3A] : memref<15680xf32, #tpu.memory_space<vmem>> -> memref<15624xf32, #tpu.memory_space<vmem>>
      %dma_start3A_10 = arith.constant 0 : i32
      %dma_start3A_11 = tpu.memref_slice %arg5[%dma_start3A_10] : memref<15680xi32, #tpu.memory_space<vmem>> -> memref<15624xi32, #tpu.memory_space<vmem>>
      %dma_start3A_12 = arith.constant 0 : i32
      %dma_start3A_13 = tpu.memref_slice %arg3[%dma_start3A_12] : memref<17825792xf32, #tpu.memory_space<hbm>> -> memref<17825792xf32, #tpu.memory_space<hbm>>
      tpu.enqueue_indirect_dma source(%dma_start3A_13 : memref<17825792xf32, #tpu.memory_space<hbm>>) target(%dma_start3A_9 : memref<15624xf32, #tpu.memory_space<vmem>>) offsets(%dma_start3A_11 : memref<15624xi32, #tpu.memory_space<vmem>>) semaphore(%arg7 : memref<!tpu.dma_semaphore, #tpu.memory_space<semaphore_mem>>)
      %dma_wait3A = arith.constant 0 : i32
      %dma_wait3A_14 = tpu.memref_slice %arg6[%dma_wait3A] : memref<15680xf32, #tpu.memory_space<vmem>> -> memref<15624xf32, #tpu.memory_space<vmem>>
      %dma_wait3A_15 = arith.constant 0 : i32
      %dma_wait3A_16 = tpu.memref_slice %arg5[%dma_wait3A_15] : memref<15680xi32, #tpu.memory_space<vmem>> -> memref<15624xi32, #tpu.memory_space<vmem>>
      %dma_wait3A_17 = arith.constant 0 : i32
      %dma_wait3A_18 = tpu.memref_slice %arg3[%dma_wait3A_17] : memref<17825792xf32, #tpu.memory_space<hbm>> -> memref<17825792xf32, #tpu.memory_space<hbm>>
      tpu.wait_indirect_dma semaphore(%arg7 : memref<!tpu.dma_semaphore, #tpu.memory_space<semaphore_mem>>) src(%dma_wait3A_18 : memref<17825792xf32, #tpu.memory_space<hbm>>) dst(%dma_wait3A_14 : memref<15624xf32, #tpu.memory_space<vmem>>)
      "tpu.region"() ({
        %run_scoped3A = tpu.sem_alloc : memref<!tpu.dma_semaphore, #tpu.memory_space<semaphore_mem>>
        %dma_start3A_19 = arith.constant 0 : i32
        %dma_start3A_20 = tpu.memref_slice %arg6[%dma_start3A_19] : memref<15680xf32, #tpu.memory_space<vmem>> -> memref<15624xf32, #tpu.memory_space<vmem>>
        %dma_start3A_21 = tpu.memref_slice %arg4[%mul3A_2] : memref<500000xf32, #tpu.memory_space<hbm>> -> memref<15624xf32, #tpu.memory_space<hbm>>
        %dma_start3A_22 = tpu.memref_slice %arg4[%mul3A_2] : memref<500000xf32, #tpu.memory_space<hbm>> -> memref<15624xf32, #tpu.memory_space<hbm>>
        %dma_start3A_23 = arith.constant 0 : i32
        %dma_start3A_24 = tpu.memref_slice %arg6[%dma_start3A_23] : memref<15680xf32, #tpu.memory_space<vmem>> -> memref<15624xf32, #tpu.memory_space<vmem>>
        tpu.enqueue_dma source(%dma_start3A_24 : memref<15624xf32, #tpu.memory_space<vmem>>) target(%dma_start3A_22 : memref<15624xf32, #tpu.memory_space<hbm>>) target_semaphore(%run_scoped3A : memref<!tpu.dma_semaphore, #tpu.memory_space<semaphore_mem>>)
        %dma_wait3A_25 = arith.constant 0 : i32
        %dma_wait3A_26 = tpu.memref_slice %arg6[%dma_wait3A_25] : memref<15680xf32, #tpu.memory_space<vmem>> -> memref<15624xf32, #tpu.memory_space<vmem>>
        %dma_wait3A_27 = tpu.memref_slice %arg4[%mul3A_2] : memref<500000xf32, #tpu.memory_space<hbm>> -> memref<15624xf32, #tpu.memory_space<hbm>>
        %dma_wait3A_28 = tpu.memref_slice %arg4[%mul3A_2] : memref<500000xf32, #tpu.memory_space<hbm>> -> memref<15624xf32, #tpu.memory_space<hbm>>
        %dma_wait3A_29 = arith.constant 0 : i32
        %dma_wait3A_30 = tpu.memref_slice %arg6[%dma_wait3A_29] : memref<15680xf32, #tpu.memory_space<vmem>> -> memref<15624xf32, #tpu.memory_space<vmem>>
        tpu.wait_dma2 semaphore(%run_scoped3A : memref<!tpu.dma_semaphore, #tpu.memory_space<semaphore_mem>>) src(%dma_wait3A_30 : memref<15624xf32, #tpu.memory_space<vmem>>) dst(%dma_wait3A_28 : memref<15624xf32, #tpu.memory_space<hbm>>)
        tpu.yield
      }) : () -> ()
    } else {
    }
    %eq3A = arith.constant 31 : i32
    %eq3A_5 = arith.cmpi eq, %add3A, %eq3A : i32
    %convert_element_type3A_6 = arith.extui %eq3A_5 : i1 to i32
    %cond3A_7 = arith.constant 0 : i32
    %cond3A_8 = arith.cmpi ne, %convert_element_type3A_6, %cond3A_7 : i32
    scf.if %cond3A_8 {
      "tpu.region"() ({
        %run_scoped3A = tpu.sem_alloc : memref<!tpu.dma_semaphore, #tpu.memory_space<semaphore_mem>>
        %dma_start3A_19 = arith.constant 0 : i32
        %dma_start3A_20 = tpu.memref_slice %arg5[%dma_start3A_19] : memref<15680xi32, #tpu.memory_space<vmem>> -> memref<15656xi32, #tpu.memory_space<vmem>>
        %dma_start3A_21 = tpu.memref_slice %arg2[%mul3A_2] : memref<500000xi32, #tpu.memory_space<hbm>> -> memref<15656xi32, #tpu.memory_space<hbm>>
        %dma_start3A_22 = arith.constant 0 : i32
        %dma_start3A_23 = tpu.memref_slice %arg5[%dma_start3A_22] : memref<15680xi32, #tpu.memory_space<vmem>> -> memref<15656xi32, #tpu.memory_space<vmem>>
        %dma_start3A_24 = tpu.memref_slice %arg2[%mul3A_2] : memref<500000xi32, #tpu.memory_space<hbm>> -> memref<15656xi32, #tpu.memory_space<hbm>>
        tpu.enqueue_dma source(%dma_start3A_24 : memref<15656xi32, #tpu.memory_space<hbm>>) target(%dma_start3A_23 : memref<15656xi32, #tpu.memory_space<vmem>>) target_semaphore(%run_scoped3A : memref<!tpu.dma_semaphore, #tpu.memory_space<semaphore_mem>>)
        %dma_wait3A_25 = arith.constant 0 : i32
        %dma_wait3A_26 = tpu.memref_slice %arg5[%dma_wait3A_25] : memref<15680xi32, #tpu.memory_space<vmem>> -> memref<15656xi32, #tpu.memory_space<vmem>>
        %dma_wait3A_27 = tpu.memref_slice %arg2[%mul3A_2] : memref<500000xi32, #tpu.memory_space<hbm>> -> memref<15656xi32, #tpu.memory_space<hbm>>
        %dma_wait3A_28 = arith.constant 0 : i32
        %dma_wait3A_29 = tpu.memref_slice %arg5[%dma_wait3A_28] : memref<15680xi32, #tpu.memory_space<vmem>> -> memref<15656xi32, #tpu.memory_space<vmem>>
        %dma_wait3A_30 = tpu.memref_slice %arg2[%mul3A_2] : memref<500000xi32, #tpu.memory_space<hbm>> -> memref<15656xi32, #tpu.memory_space<hbm>>
        tpu.wait_dma2 semaphore(%run_scoped3A : memref<!tpu.dma_semaphore, #tpu.memory_space<semaphore_mem>>) src(%dma_wait3A_30 : memref<15656xi32, #tpu.memory_space<hbm>>) dst(%dma_wait3A_29 : memref<15656xi32, #tpu.memory_space<vmem>>)
        tpu.yield
      }) : () -> ()
      %dma_start3A = arith.constant 0 : i32
      %dma_start3A_9 = tpu.memref_slice %arg6[%dma_start3A] : memref<15680xf32, #tpu.memory_space<vmem>> -> memref<15656xf32, #tpu.memory_space<vmem>>
      %dma_start3A_10 = arith.constant 0 : i32
      %dma_start3A_11 = tpu.memref_slice %arg5[%dma_start3A_10] : memref<15680xi32, #tpu.memory_space<vmem>> -> memref<15656xi32, #tpu.memory_space<vmem>>
      %dma_start3A_12 = arith.constant 0 : i32
      %dma_start3A_13 = tpu.memref_slice %arg3[%dma_start3A_12] : memref<17825792xf32, #tpu.memory_space<hbm>> -> memref<17825792xf32, #tpu.memory_space<hbm>>
      tpu.enqueue_indirect_dma source(%dma_start3A_13 : memref<17825792xf32, #tpu.memory_space<hbm>>) target(%dma_start3A_9 : memref<15656xf32, #tpu.memory_space<vmem>>) offsets(%dma_start3A_11 : memref<15656xi32, #tpu.memory_space<vmem>>) semaphore(%arg7 : memref<!tpu.dma_semaphore, #tpu.memory_space<semaphore_mem>>)
      %dma_wait3A = arith.constant 0 : i32
      %dma_wait3A_14 = tpu.memref_slice %arg6[%dma_wait3A] : memref<15680xf32, #tpu.memory_space<vmem>> -> memref<15656xf32, #tpu.memory_space<vmem>>
      %dma_wait3A_15 = arith.constant 0 : i32
      %dma_wait3A_16 = tpu.memref_slice %arg5[%dma_wait3A_15] : memref<15680xi32, #tpu.memory_space<vmem>> -> memref<15656xi32, #tpu.memory_space<vmem>>
      %dma_wait3A_17 = arith.constant 0 : i32
      %dma_wait3A_18 = tpu.memref_slice %arg3[%dma_wait3A_17] : memref<17825792xf32, #tpu.memory_space<hbm>> -> memref<17825792xf32, #tpu.memory_space<hbm>>
      tpu.wait_indirect_dma semaphore(%arg7 : memref<!tpu.dma_semaphore, #tpu.memory_space<semaphore_mem>>) src(%dma_wait3A_18 : memref<17825792xf32, #tpu.memory_space<hbm>>) dst(%dma_wait3A_14 : memref<15656xf32, #tpu.memory_space<vmem>>)
      "tpu.region"() ({
        %run_scoped3A = tpu.sem_alloc : memref<!tpu.dma_semaphore, #tpu.memory_space<semaphore_mem>>
        %dma_start3A_19 = arith.constant 0 : i32
        %dma_start3A_20 = tpu.memref_slice %arg6[%dma_start3A_19] : memref<15680xf32, #tpu.memory_space<vmem>> -> memref<15656xf32, #tpu.memory_space<vmem>>
        %dma_start3A_21 = tpu.memref_slice %arg4[%mul3A_2] : memref<500000xf32, #tpu.memory_space<hbm>> -> memref<15656xf32, #tpu.memory_space<hbm>>
        %dma_start3A_22 = tpu.memref_slice %arg4[%mul3A_2] : memref<500000xf32, #tpu.memory_space<hbm>> -> memref<15656xf32, #tpu.memory_space<hbm>>
        %dma_start3A_23 = arith.constant 0 : i32
        %dma_start3A_24 = tpu.memref_slice %arg6[%dma_start3A_23] : memref<15680xf32, #tpu.memory_space<vmem>> -> memref<15656xf32, #tpu.memory_space<vmem>>
        tpu.enqueue_dma source(%dma_start3A_24 : memref<15656xf32, #tpu.memory_space<vmem>>) target(%dma_start3A_22 : memref<15656xf32, #tpu.memory_space<hbm>>) target_semaphore(%run_scoped3A : memref<!tpu.dma_semaphore, #tpu.memory_space<semaphore_mem>>)
        %dma_wait3A_25 = arith.constant 0 : i32
        %dma_wait3A_26 = tpu.memref_slice %arg6[%dma_wait3A_25] : memref<15680xf32, #tpu.memory_space<vmem>> -> memref<15656xf32, #tpu.memory_space<vmem>>
        %dma_wait3A_27 = tpu.memref_slice %arg4[%mul3A_2] : memref<500000xf32, #tpu.memory_space<hbm>> -> memref<15656xf32, #tpu.memory_space<hbm>>
        %dma_wait3A_28 = tpu.memref_slice %arg4[%mul3A_2] : memref<500000xf32, #tpu.memory_space<hbm>> -> memref<15656xf32, #tpu.memory_space<hbm>>
        %dma_wait3A_29 = arith.constant 0 : i32
        %dma_wait3A_30 = tpu.memref_slice %arg6[%dma_wait3A_29] : memref<15680xf32, #tpu.memory_space<vmem>> -> memref<15656xf32, #tpu.memory_space<vmem>>
        tpu.wait_dma2 semaphore(%run_scoped3A : memref<!tpu.dma_semaphore, #tpu.memory_space<semaphore_mem>>) src(%dma_wait3A_30 : memref<15656xf32, #tpu.memory_space<vmem>>) dst(%dma_wait3A_28 : memref<15656xf32, #tpu.memory_space<hbm>>)
        tpu.yield
      }) : () -> ()
    } else {
    }
    return
  }
}

module attributes {stable_mosaic.version = 14 : i64} {
  func.func @_flat_filter_body(%arg0: i32, %arg1: memref<1048576xf32, #tpu.memory_space<vmem>>, %arg2: memref<262144xf32, #tpu.memory_space<vmem>>, %arg3: memref<1048576xf32, #tpu.memory_space<vmem>>) attributes {dimension_semantics = [#tpu.dimension_semantics<arbitrary>], iteration_bounds = array<i64: 17>, scalar_prefetch = 0 : i64, scratch_operands = 0 : i64, tpu.core_type = #tpu.core_type<tc>, window_params = [{transform_indices = @transform_0, window_bounds = array<i64: 1048576>}, {transform_indices = @transform_1, window_bounds = array<i64: 262144>}, {transform_indices = @transform_2, window_bounds = array<i64: 1048576>}]} {
    %get3A = arith.constant 0 : index
    %get3A_0 = vector.load %arg1[%get3A] : memref<1048576xf32, #tpu.memory_space<vmem>>, vector<1048576xf32>
    %get3A_1 = arith.constant 0 : index
    %get3A_2 = vector.load %arg2[%get3A_1] : memref<262144xf32, #tpu.memory_space<vmem>>, vector<202023xf32>
    %concatenate3A = tpu.concatenate %get3A_0, %get3A_2 in 0 : vector<1048576xf32>, vector<202023xf32> -> vector<1250599xf32>
    %slice3A = vector.extract_strided_slice %concatenate3A {offsets = [0], sizes = [1250598], strides = [1]} : vector<1250599xf32> to vector<1250598xf32>
    %slice3A_3 = vector.extract_strided_slice %concatenate3A {offsets = [1], sizes = [1250598], strides = [1]} : vector<1250599xf32> to vector<1250598xf32>
    %add3A = arith.addf %slice3A, %slice3A_3 : vector<1250598xf32>
    %slice3A_4 = vector.extract_strided_slice %add3A {offsets = [0], sizes = [1250596], strides = [1]} : vector<1250598xf32> to vector<1250596xf32>
    %slice3A_5 = vector.extract_strided_slice %add3A {offsets = [2], sizes = [1250596], strides = [1]} : vector<1250598xf32> to vector<1250596xf32>
    %add3A_6 = arith.addf %slice3A_4, %slice3A_5 : vector<1250596xf32>
    %slice3A_7 = vector.extract_strided_slice %add3A_6 {offsets = [0], sizes = [1250337], strides = [1]} : vector<1250596xf32> to vector<1250337xf32>
    %slice3A_8 = vector.extract_strided_slice %add3A_6 {offsets = [259], sizes = [1250337], strides = [1]} : vector<1250596xf32> to vector<1250337xf32>
    %add3A_9 = arith.addf %slice3A_7, %slice3A_8 : vector<1250337xf32>
    %slice3A_10 = vector.extract_strided_slice %add3A_9 {offsets = [0], sizes = [1249819], strides = [1]} : vector<1250337xf32> to vector<1249819xf32>
    %slice3A_11 = vector.extract_strided_slice %add3A_9 {offsets = [518], sizes = [1249819], strides = [1]} : vector<1250337xf32> to vector<1249819xf32>
    %add3A_12 = arith.addf %slice3A_10, %slice3A_11 : vector<1249819xf32>
    %slice3A_13 = vector.extract_strided_slice %add3A_12 {offsets = [0], sizes = [1182738], strides = [1]} : vector<1249819xf32> to vector<1182738xf32>
    %slice3A_14 = vector.extract_strided_slice %add3A_12 {offsets = [67081], sizes = [1182738], strides = [1]} : vector<1249819xf32> to vector<1182738xf32>
    %add3A_15 = arith.addf %slice3A_13, %slice3A_14 : vector<1182738xf32>
    %slice3A_16 = vector.extract_strided_slice %add3A_15 {offsets = [0], sizes = [1048576], strides = [1]} : vector<1182738xf32> to vector<1048576xf32>
    %slice3A_17 = vector.extract_strided_slice %add3A_15 {offsets = [134162], sizes = [1048576], strides = [1]} : vector<1182738xf32> to vector<1048576xf32>
    %add3A_18 = arith.addf %slice3A_16, %slice3A_17 : vector<1048576xf32>
    %swap3A = arith.constant 0 : index
    %swap3A_19 = vector.load %arg3[%swap3A] : memref<1048576xf32, #tpu.memory_space<vmem>>, vector<1048576xf32>
    tpu.vector_store %arg3[%swap3A], %add3A_18 {strides = array<i32>} : memref<1048576xf32, #tpu.memory_space<vmem>>, vector<1048576xf32>,
    return
  }
  func.func @transform_0(%arg0: i32) -> i32 {
    %c0_i32 = arith.constant 0 : i32
    return %arg0 : i32
  }
  func.func @transform_1(%arg0: i32) -> i32 {
    %add3A = arith.constant 1 : i32
    %add3A_0 = arith.addi %arg0, %add3A : i32
    %mul3A = arith.constant 4 : i32
    %mul3A_1 = arith.muli %mul3A, %add3A_0 : i32
    %min3A = arith.constant 66 : i32
    %min3A_2 = arith.minsi %mul3A_1, %min3A : i32
    %c0_i32 = arith.constant 0 : i32
    return %min3A_2 : i32
  }
  func.func @transform_2(%arg0: i32) -> i32 {
    %c0_i32 = arith.constant 0 : i32
    return %arg0 : i32
  }
}

</mosaic_0001>

<sc_bundles>
// kernel: kernel.5.cloned.1.call-start
scs
__scs_entry_jumppad:
0x0: {  	(pc) =	sbr.rel $0x88, $3  }
0x1: {  	(tag) =	ssettag $0x0;
	lr =	simm.s32 $0x1  }
0x2: {  	[smem:$0x3F9F] =	sst lr;
	_ =	strace $0xD0000000  }
0x3: {  	_ = 	snop  }
0x4: {  	_ = 	snop  }
0x5: {  	_ = 	snop  }
0x6: {  	_ = 	snop  }
0x7: {  	_ = 	snop  }
__scs_overlays_trampoline_lowered:
0x8: {  	[smem:$0x3FAE] =	sst s0  }
0x9: {  	[smem:$0x3FAF] =	sst s1  }
0xa: {  	[smem:$0x3FB0] =	sst s2  }
0xb: {  	[smem:$0x3FB1] =	sst s3  }
0xc: {  	[smem:$0x3FB2] =	sst s4  }
0xd: {  	[smem:$0x3FB3] =	sst s5  }
0xe: {  	[smem:$0x3FB4] =	sst s6  }
0xf: {  	[smem:$0x3FB5] =	sst s7  }
0x10: {  	[smem:$0x3FB6] =	sst s8  }
0x11: {  	[smem:$0x3FB7] =	sst s9;
	s0 =	simm.s32 @!p0 $0x0  }
0x12: {  	s1 =	sld [smem:$0x3F9D];
	s0 =	simm.s32 @p0 $0x1  }
0x13: {  	[smem:$0x3FB8] =	sst s0;
	s0 =	simm.s32 @!p1 $0x0  }
0x14: {  	s2 =	sld [smem:$0x3F9C];
	s0 =	simm.s32 @p1 $0x1  }
0x15: {  	[smem:$0x3FB9] =	sst s0;
	s0 =	simm.s32 @!p2 $0x0  }
0x16: {  	s3 =	sld [smem:$0x3FDB];
	s0 =	simm.s32 @p2 $0x1  }
0x17: {  	s4 =	simm.s32 $0x1BF5;
	[smem:$0x3FBB] =	sst s0  }
0x18: {  	s0 =	sld [smem:$0x3F9E];
	_ =	swait.ge [sflag:s4], $0x0  }
0x19: {  	s7 =	sld [smem:$0x3F9F]  }
0x1a: {  	s8 =	sadd.s32 $0xFFFFE003, lr  }
0x1b: {  	s9 =	sadd.s32 $0xFFFFFEF7, lr;
	s5 =	simm.s32 $0xFFFFFFFF;
	p2 =	slt.u32 s8, $0xFFFFF086  }
0x1c: {  	p1 =	slt.u32 s9, $0xF7A;
	s5 =	simm.s32 @!p2 $0x0  }
0x1d: {  	s5 =	simm.s32 @p1 $0x1;
	p0 =	seq.s32 s7, s2  }
0x1e: {  	s7 =	smul.u32 @!p0 $0xF7A, s2;
	p2 =	seq.s32 @!p0 s5, $0x0  }
0x1f: {  	s9 =	smul.u32 $0xF7A, s1;
	s8 =	simm.s32 @!p0 $0x1BF5;
	p2 =	por !p2, p0  }
0x20: {  	[sflag:s8] =	ssyncset.s32 @!p0 $0xFFFFF086;
	s6 =	sadd.s32 @!p0 s3, s7;
	s7 =	simm.s32 @!p0 $0x108  }
0x21: {  	s3 =	sadd.s32 s3, s9;
	s6 =	sadd.s32 @!p0 $0x88, s6;
	s7 =	simm.s32 @p2 $0x1082  }
0x22: {  	[simem:s7], [sflag:s8] =	dma.local @!p0 [hbm:s6], $0xF7A  }
0x23: {  	s9 =	sor.u32 $0xD0000000, s2;
	s6 =	simm.s32 $0x108;
	_ =	swait.ge @!p0 [sflag:s8], $0x0  }
0x24: {  	s3 =	sadd.s32 $0x88, s3;
	s6 =	simm.s32 @!p1 $0x1082;
	[sflag:s4] =	ssyncset.s32 $0xFFFFF086  }
0x25: {  	[simem:s6], [sflag:s4] =	dma.local [hbm:s3], $0xF7A  }
0x26: {  	[smem:$0x3F9F] =	sst s1;
	(tag) =	ssettag s2;
	_ =	strace s9  }
0x27: {  	s1 =	sld [smem:$0x3FAF]  }
0x28: {  	s2 =	sld [smem:$0x3FB0]  }
0x29: {  	s4 =	sld [smem:$0x3FB2]  }
0x2a: {  	p0 =	seq.s32 s5, $0x0;
	s5 =	sld [smem:$0x3FB3]  }
0x2b: {  	s6 =	sld [smem:$0x3FB4]  }
0x2c: {  	s7 =	sld [smem:$0x3FB5]  }
0x2d: {  	s3 =	simm.s32 $0x108;
	s8 =	sld [smem:$0x3FB6]  }
0x2e: {  	s3 =	simm.s32 @!p0 $0x1082;
	s9 =	sld [smem:$0x3FB7]  }
0x2f: {  	lr =	sadd.s32 s0, s3;
	s0 =	sld [smem:$0x3FAE]  }
0x30: {  	s3 =	sld [smem:$0x3FB1]  }
0x31: {  	[smem:$0x3FBA] =	sst s10  }
0x32: {  	s10 =	sld [smem:$0x3FB8];
	_ =	sdelay $0x3  }
0x33: {  	p0 =	seq.s32 s10, $0x1;
	s10 =	sld [smem:$0x3FBA];
	_ =	sdelay $0x3  }
0x34: {  	[smem:$0x3FBA] =	sst s10  }
0x35: {  	s10 =	sld [smem:$0x3FB9];
	_ =	sdelay $0x3  }
0x36: {  	p1 =	seq.s32 s10, $0x1;
	s10 =	sld [smem:$0x3FBA];
	_ =	sdelay $0x3  }
0x37: {  	[smem:$0x3FBA] =	sst s10  }
0x38: {  	s10 =	sld [smem:$0x3FBB]  }
0x39: {  	_ = 	snop;
	(pc) =	sbr.ind lr, $3  }
0x3a: {  	_ = 	snop  }
0x3b: {  	_ = 	snop  }
0x3c: {  	p2 =	seq.s32 s10, $0x1;
	s10 =	sld [smem:$0x3FBA]  }
0x3d: {  	_ =	shalt  }
0x3e: {  	_ =	shalt  }
0x3f: {  	_ =	shalt  }
0x40: {  	_ =	shalt  }
0x41: {  	_ =	shalt  }
0x42: {  	_ =	shalt  }
0x43: {  	_ =	shalt  }
0x44: {  	_ =	shalt  }
0x45: {  	_ =	shalt  }
0x46: {  	_ =	shalt  }
0x47: {  	_ =	shalt  }
0x48: {  	_ =	shalt  }
0x49: {  	_ =	shalt  }
0x4a: {  	_ =	shalt  }
0x4b: {  	_ =	shalt  }
0x4c: {  	_ =	shalt  }
0x4d: {  	_ =	shalt  }
0x4e: {  	_ =	shalt  }
0x4f: {  	_ =	shalt  }
0x50: {  	_ =	shalt  }
0x51: {  	_ =	shalt  }
0x52: {  	_ =	shalt  }
0x53: {  	_ =	shalt  }
0x54: {  	_ =	shalt  }
0x55: {  	_ =	shalt  }
0x56: {  	_ =	shalt  }
0x57: {  	_ =	shalt  }
0x58: {  	_ =	shalt  }
0x59: {  	_ =	shalt  }
0x5a: {  	_ =	shalt  }
0x5b: {  	_ =	shalt  }
0x5c: {  	_ =	shalt  }
0x5d: {  	_ =	shalt  }
0x5e: {  	_ =	shalt  }
0x5f: {  	_ =	shalt  }
0x60: {  	_ =	shalt  }
0x61: {  	_ =	shalt  }
0x62: {  	_ =	shalt  }
0x63: {  	_ =	shalt  }
0x64: {  	_ =	shalt  }
0x65: {  	_ =	shalt  }
0x66: {  	_ =	shalt  }
0x67: {  	_ =	shalt  }
0x68: {  	_ =	shalt  }
0x69: {  	_ =	shalt  }
0x6a: {  	_ =	shalt  }
0x6b: {  	_ =	shalt  }
0x6c: {  	_ =	shalt  }
0x6d: {  	_ =	shalt  }
0x6e: {  	_ =	shalt  }
0x6f: {  	_ =	shalt  }
0x70: {  	_ =	shalt  }
0x71: {  	_ =	shalt  }
0x72: {  	_ =	shalt  }
0x73: {  	_ =	shalt  }
0x74: {  	_ =	shalt  }
0x75: {  	_ =	shalt  }
0x76: {  	_ =	shalt  }
0x77: {  	_ =	shalt  }
0x78: {  	_ =	shalt  }
0x79: {  	_ =	shalt  }
0x7a: {  	_ =	shalt  }
0x7b: {  	_ =	shalt  }
0x7c: {  	_ =	shalt  }
0x7d: {  	_ =	shalt  }
0x7e: {  	_ =	shalt  }
0x7f: {  	_ =	shalt  }
0x80: {  	_ =	shalt  }
0x81: {  	_ =	shalt  }
0x82: {  	_ =	shalt  }
0x83: {  	_ =	shalt  }
0x84: {  	_ =	shalt  }
0x85: {  	_ =	shalt  }
0x86: {  	_ =	shalt  }
0x87: {  	_ =	shalt  }
.Lfunc_end0:
.L_simem_size_0:
called_computation_lowered:
.L_overlay_start_0:
0x88: {  	s2 =	sld [smem:$0x3FD9]  }
0x89: {  	s3 =	sld [smem:$0x3FFE];
	_ =	sdelay $0x1  }
0x8a: {  	s1 =	srdreg.scid  }
0x8b: {  	s0 =	sand.u32 $0x1, s1  }
0x8c: {  	s16 =	sshll.u32 s0, $0xA;
	s2 =	sadd.s32 s3, s2  }
0x8d: {  	s2 =	sadd.s32 s2, s16  }
0x8e: {  	[smem:$0x3FC6] =	sst s2  }
0x8f: {  	_ = 	snop  }
0x90: {  	(tm) =	ssettm $0x1  }
0x91: {  	s17 =	sld [smem:$0x3FFB];
	_ =	sdelay $0x3  }
0x92: {  	_ =	strace s17  }
0x93: {  	s2 =	sld [smem:$0x3FFC];
	_ =	sdelay $0x3  }
0x94: {  	_ =	strace s2  }
0x95: {  	s2 =	sld [smem:$0x3FFD];
	_ =	sdelay $0x3  }
0x96: {  	_ =	strace s2  }
0x97: {  	_ =	strace $0x8FFFFFFF  }
0x98: {  	s18 =	sld [smem:$0x3FDB];
	_ =	sdelay $0x1  }
0x99: {  	s19 =	simm.s32 $_scs_section_size  }
0x9a: {  	s4 =	simm.s32 $_size__tile_overlayer_lowered;
	s5 =	simm.s32 $_tile_overlayer_lowered  }
0x9b: {  	s22 =	simm.s32 $0x1BFF;
	s21 =	sshll.u32 s5, $0x1;
	s2 =	sadd.s32 s19, s18  }
0x9c: {  	s6 =	simm.s32 $0x0;
	s20 =	sshll.u32 s4, $0x1;
	s4 =	sadd.s32 s21, s2  }
0x9d: {  	[timem:s6], [sflag:s22] =	dma.local [hbm:s4], s20  }
0x9e: {  	_ =	swait.ge [sflag:s22], s20  }
0x9f: {  	s3 =	ssub.s32 $0x0, s20;
	[sflag:s22] =	ssyncset.done $0x0  }
0xa0: {  	[sflag:s22] =	ssyncadd.s32 s3;
	_ =	sdelay $0x1  }
0xa1: {  	s23 =	simm.s32 $0x1B8B  }
0xa2: {  	_ =	swait.ge [sflag:s23], $0x1  }
0xa3: {  	[sflag:s23] =	ssyncset.done $0x0  }
0xa4: {  	s25 =	simm.s32 $0x1B8E;
	s24 =	sld [smem:$0x3FFE];
	[sflag:s23] =	ssyncadd.s32 $0xFFFFFFFF  }
0xa5: {  	s26 =	simm.s32 $execute0_lowered;
	[smem:$0x3FD2] =	sst s25  }
0xa6: {  	s4 =	sshll.u32 s26, $0x1;
	_ =	strace $0x80000046;
	[dreg:$0x1] =	wrdreg $0xFFFFFFFF  }
0xa7: {  	s28 =	simm.s32 $_size_execute0_lowered;
	s2 =	sadd.s32 s2, s4;
	[dreg:$0x0] =	wrdreg $0x0  }
0xa8: {  	s4 =	sshll.u32 s28, $0x1;
	[dreg:$0x2] =	wrdreg s2  }
0xa9: {  	[dreg:$0x3] =	wrdreg s4  }
0xaa: {  	[dreg:$0x4] =	wrdreg $0xC0  }
0xab: {  	_ =	task [dreg:s6], $0x5FFFF  }
0xac: {  	[dreg:$0x1] =	wrdreg $0xFFFFFFFF  }
0xad: {  	[dreg:$0x0] =	wrdreg $0x60  }
0xae: {  	[dreg:$0x2] =	wrdreg s24  }
0xaf: {  	[dreg:$0x3] =	wrdreg $0x9  }
0xb0: {  	_ =	task.clear_ibuf [dreg:s6], $0x4FFFF;
	_ =	strace $0x90000046  }
0xb1: {  	s29 =	simm.s32 $0x9;
	_ =	strace $0x80000048  }
0xb2: {  	_ =	swait.ge [sflag:s29], $0x1  }
0xb3: {  	[sflag:s29] =	ssyncadd.s32 $0xFFFFFFFF  }
0xb4: {  	_ =	strace $0x90000048  }
0xb5: {  	_ =	sfence  }
0xb6: {  	s30 =	sld [smem:$0x0];
	_ =	sdelay $0x2  }
0xb7: {  	s31 =	sshll.u32 s1, $0xD;
	s1 =	sshrl.u32 s1, $0x2  }
0xb8: {  	s3 =	sand.u32 $0x4000, s31;
	s1 =	sadd.s32 s1, s30  }
0xb9: {  	s0 =	sor.u32 s3, s0;
	s1 =	sshll.u32 s1, $0x11  }
0xba: {  	s0 =	sor.u32 s1, s0  }
0xbb: {  	s0 =	sadd.s32 $0x8F2B, s0  }
0xbc: {  	[sflag:s0] =	ssyncadd.remote.s32 $0x1  }
0xbd: {  	_ =	sfence.sel $0xFFFF  }
0xbe: {  	[dreg:$0x0] =	wrdreg $0xFFFFFFFF;
	(pc) =	sbr.abs _section_cstart, $3  }
0xbf: {  	[dreg:$0x1] =	wrdreg $0xFFFFFFFF  }
0xc0: {  	_ =	task.clear_ibuf [dreg:s6], $0x2FFFF;
	_ =	strace $0x9FFFFFFF  }
0xc1: {  	(tm) =	ssettm $0x7FFFFFFF  }
tec
execute0_lowered:
.L_overlay_start_1:
0x0: {  	(tag) =	ssettag $0x1  }
0x1: {  	s1 =	srdreg.scid  }
0x2: {  	s0 =	stileid.u32;
	s10 =	rddreg [dreg:$0x0]  }
0x3: {  	s3 =	sand.u32 $0x1, s1;
	s2 =	sshll.u32 s0, $0x1;
	s1 =	rddreg [dreg:$0x1]  }
0x4: {  	s6 =	sadd.s32 $0x2D87F, s10;
	s7 =	sadd.s32 $0x1E27F, s10;
	s8 =	sadd.s32 $0xEC7F, s10  }
0x5: {  	s12 =	sor.u32 s3, s2;
	s2 =	simm.s32 $0x0;
	s3 =	ssub.s32 $0x2, s3  }
0x6: {  	s4 =	smul.u32 $0x7A1, s12;
	[smem:$0x7FF] =	sst s2;
	s5 =	sshrl.u32 s3, $0x1  }
0x7: {  	p0 =	seq.s32 s12, $0x1F;
	_ =	strace $0x80000047;
	s11 =	ssub.s32 s3, s5  }
0x8: {  	s3 =	sadd.s32 s10, s4;
	s10 =	sadd.s32 $0x3CE7F, s10;
	s11 =	smax.u32 s11, $0x1  }
0x9: {  	s4 =	sadd.s32 $0x1EC00, s3;
	s5 =	sadd.s32 $0xF600, s3;
	s9 =	sadd.s32 $0x2E200, s3  }
.LBB2_1:
0xa: {  	s12 =	simm.s32 @p0 $0x0;
	s13 =	simm.s32 @p0 $0x1  }
0xb: {  	[tilespmem:s12], [sflag:$0x1] =	stream.linear.gather @p0 [hbm4b:s6+s12], $0x3D28, $0x38;
	[tilespmem:$0xF600] =	vst v63  }
0xc: {  	_ =	swait.ge @p0 [sflag:s13], $0x3D28  }
0xd: {  	[sflag:s13] =	ssyncset.done @p0 $0x0  }
0xe: {  	s14 =	simm.s32 @p0 $0x3D80;
	[sflag:s13] =	ssyncadd.s32 @p0 $0xFFFFC2D8  }
0xf: {  	[tilespmem:s14], [sflag:$0x1] =	stream.linear.gather @p0 [hbm4b:s7+s12], $0x3D28, $0x38;
	[tilespmem:$0xF600] =	vst v63  }
0x10: {  	_ =	swait.ge @p0 [sflag:s13], $0x3D28  }
0x11: {  	[sflag:s13] =	ssyncset.done @p0 $0x0  }
0x12: {  	s14 =	simm.s32 @p0 $0x7B00;
	[sflag:s13] =	ssyncadd.s32 @p0 $0xFFFFC2D8  }
0x13: {  	[tilespmem:s14], [sflag:$0x1] =	stream.linear.gather @p0 [hbm4b:s8+s12], $0x3D28, $0x38;
	[tilespmem:$0xF600] =	vst v63  }
0x14: {  	_ =	swait.ge @p0 [sflag:s13], $0x3D28  }
0x15: {  	[sflag:s13] =	ssyncset.done @p0 $0x0  }
0x16: {  	s12 =	simm.s32 @!p0 $0x0;
	[sflag:s13] =	ssyncadd.s32 @p0 $0xFFFFC2D8;
	s13 =	simm.s32 @!p0 $0x1  }
0x17: {  	[tilespmem:s12], [sflag:$0x1] =	stream.linear.gather @!p0 [hbm4b:s4+s12], $0x3D08, $0x38;
	[tilespmem:$0xF600] =	vst v63  }
0x18: {  	_ =	swait.ge @!p0 [sflag:s13], $0x3D08  }
0x19: {  	[sflag:s13] =	ssyncset.done @!p0 $0x0  }
0x1a: {  	s14 =	simm.s32 @!p0 $0x3D80;
	[sflag:s13] =	ssyncadd.s32 @!p0 $0xFFFFC2F8  }
0x1b: {  	[tilespmem:s14], [sflag:$0x1] =	stream.linear.gather @!p0 [hbm4b:s5+s12], $0x3D08, $0x38;
	[tilespmem:$0xF600] =	vst v63  }
0x1c: {  	_ =	swait.ge @!p0 [sflag:s13], $0x3D08  }
0x1d: {  	[sflag:s13] =	ssyncset.done @!p0 $0x0  }
0x1e: {  	s14 =	simm.s32 @!p0 $0x7B00;
	[sflag:s13] =	ssyncadd.s32 @!p0 $0xFFFFC2F8  }
0x1f: {  	[tilespmem:s14], [sflag:$0x1] =	stream.linear.gather @!p0 [hbm4b:s3+s12], $0x3D08, $0x38;
	[tilespmem:$0xF600] =	vst v63  }
0x20: {  	_ =	swait.ge @!p0 [sflag:s13], $0x3D08  }
0x21: {  	[sflag:s13] =	ssyncset.done @!p0 $0x0  }
0x22: {  	s12 =	simm.s32 $0x0;
	[sflag:s13] =	ssyncadd.s32 @!p0 $0xFFFFC2F8  }
0x23: {  	v0 =	vld [tilespmem:s12+$0x7B00]  }
0x24: {  	v1 =	vld [tilespmem:s12+$0x7B10]  }
0x25: {  	v2 =	vld [tilespmem:s12+$0x30]  }
0x26: {  	v3 =	vld [tilespmem:s12+$0x20]  }
0x27: {  	v4 =	vld [tilespmem:s12+$0x3DA0]  }
0x28: {  	v8 =	vld [tilespmem:s12+$0x3DB0]  }
0x29: {  	v11 =	vld [tilespmem:s12+$0x0]  }
0x2a: {  	v5 =	vld [tilespmem:s12+$0x7B20]  }
0x2b: {  	v6 =	vld [tilespmem:s12+$0x3D80];
	v1 =	vmul.f32 $2.560000000e+02, v1;
	v0 =	vmul.f32 $2.560000000e+02, v0  }
0x2c: {  	v2 =	vmul.f32 $2.560000000e+02, v2;
	v3 =	vmul.f32 $2.560000000e+02, v3  }
0x2d: {  	v4 =	vmul.f32 $2.560000000e+02, v4;
	v8 =	vmul.f32 $2.560000000e+02, v8  }
0x2e: {  	v7 =	vld [tilespmem:s12+$0x3D90];
	v11 =	vmul.f32 $2.560000000e+02, v11;
	v1 =	vtrunc.f32 v1  }
0x2f: {  	v9 =	vtrunc.f32 v0;
	v0 =	vtrunc.f32 v2  }
0x30: {  	v2 =	vmul.f32 $2.560000000e+02, v5;
	v5 =	vmul.f32 $2.560000000e+02, v6  }
0x31: {  	v12 =	vtrunc.f32 v3;
	v8 =	vtrunc.f32 v8  }
0x32: {  	s13 =	simm.s32 $0x40;
	v6 =	vld [tilespmem:s12+$0x7B30];
	v21 =	vtrunc.f32 v11;
	v10 =	vcvt.f32.s32 v0  }
0x33: {  	v3 =	vld [tilespmem:s13+$0x7B00];
	v0 =	vmul.f32 $2.560000000e+02, v7;
	v5 =	vtrunc.f32 v5  }
0x34: {  	v7 =	vld [tilespmem:s12+$0x10];
	v2 =	vtrunc.f32 v2;
	v5 =	vcvt.f32.s32 v5  }
0x35: {  	v0 =	vtrunc.f32 v0;
	v13 =	vcvt.f32.s32 v2  }
0x36: {  	v15 =	vld [tilespmem:s13+$0x30];
	v14 =	vcvt.f32.s32 v0;
	v0 =	vcvt.f32.s32 v1  }
0x37: {  	v19 =	vld [tilespmem:s13+$0x3DA0];
	v1 =	vtrunc.f32 v4;
	v2 =	vmul.f32 $2.560000000e+02, v6  }
0x38: {  	v6 =	vld [tilespmem:s13+$0x7B10];
	v17 =	vmul.f32 $2.560000000e+02, v3;
	v1 =	vcvt.f32.s32 v1  }
0x39: {  	v18 =	vmul.u32 $0x10609, v10;
	v4 =	vld [tilespmem:s13+$0x20];
	v16 =	vmul.f32 $2.560000000e+02, v7;
	v7 =	vcvt.f32.s32 v8  }
0x3a: {  	v3 =	vmul.u32 $0x103, v5;
	v8 =	vcvt.f32.s32 v12;
	v2 =	vtrunc.f32 v2  }
0x3b: {  	v11 =	vmul.u32 $0x103, v1;
	v1 =	vtrunc.f32 v17;
	v20 =	vcvt.f32.s32 v2  }
0x3c: {  	v2 =	vmul.u32 $0x103, v14;
	v14 =	vmul.f32 $2.560000000e+02, v15;
	v12 =	vmul.u32 $0x103, v7;
	v15 =	vld [tilespmem:s13+$0x3D80]  }
0x3d: {  	v24 =	vmul.u32 $0x10609, v8;
	v8 =	vmul.f32 $2.560000000e+02, v19;
	v5 =	vmul.f32 $2.560000000e+02, v6;
	v6 =	vld [tilespmem:s13+$0x7B20]  }
0x3e: {  	v22 =	vld [tilespmem:s13+$0x3D90];
	v19 =	vtrunc.f32 v16;
	v10 =	vmul.f32 $2.560000000e+02, v4  }
0x3f: {  	v23 =	vld [tilespmem:s13+$0x3DB0];
	v16 =	vadd.s32 v18, v12;
	v12 =	vtrunc.f32 v14;
	v14 =	vadd.s32 v24, v11  }
0x40: {  	v4 =	vcvt.f32.s32 v9;
	v14 =	vadd.s32 v13, v14;
	v13 =	vcvt.f32.s32 v21  }
0x41: {  	v9 =	vld [tilespmem:s13+$0x10];
	v7 =	vtrunc.f32 v5;
	v17 =	vmul.f32 $2.560000000e+02, v15  }
0x42: {  	v11 =	vmul.f32 $2.560000000e+02, v6;
	v6 =	vcvt.f32.s32 v12;
	v12 =	vld [tilespmem:s13+$0x7B30]  }
0x43: {  	v5 =	vld [tilespmem:s13+$0x0];
	v15 =	vcvt.f32.s32 v19;
	[tilespmem:s12+$0xB8A0] =	vst v14;
	v14 =	vadd.s32 v20, v16;
	v16 =	vmul.f32 $2.560000000e+02, v22  }
0x44: {  	s14 =	simm.s32 $0x200;
	v17 =	vtrunc.f32 v17;
	[tilespmem:s12+$0xB8B0] =	vst v14;
	v14 =	vmul.f32 $2.560000000e+02, v23;
	v6 =	vmul.u32 $0x10609, v6  }
.LBB2_2:
0x45: {  	s15 =	sshra.s32 s14, $0x2;
	p1 =	sne.s32 s14, $0xF400;
	s14 =	sadd.s32 $0x100, s14;
	v17 =	vcvt.f32.s32 v17;
	v10 =	vtrunc.f32 v10;
	v13 =	vmul.u32 $0x10609, v13  }
0x46: {  	v16 =	vtrunc.f32 v16;
	v11 =	vtrunc.f32 v11;
	v15 =	vmul.u32 $0x10609, v15;
	v18 =	vld [tilespmem:s15+$0x7B00]  }
0x47: {  	v20 =	vcvt.f32.s32 v11;
	v19 =	vld [tilespmem:s15+$0x7B10];
	v17 =	vmul.u32 $0x103, v17;
	v11 =	vmul.f32 $2.560000000e+02, v12  }
0x48: {  	v16 =	vcvt.f32.s32 v16;
	v14 =	vtrunc.f32 v14;
	v13 =	vadd.s32 v13, v3;
	v12 =	vld [tilespmem:s15+$0x7B20]  }
0x49: {  	v9 =	vmul.f32 $2.560000000e+02, v9;
	v7 =	vcvt.f32.s32 v7;
	v15 =	vadd.s32 v15, v2;
	v21 =	vld [tilespmem:s15+$0x30];
	v3 =	vmovc v17  }
0x4a: {  	v8 =	vtrunc.f32 v8;
	v2 =	vmul.u32 $0x103, v16;
	v11 =	vtrunc.f32 v11;
	v17 =	vld [tilespmem:s15+$0x20]  }
0x4b: {  	v22 =	vmul.f32 $2.560000000e+02, v5;
	v5 =	vadd.s32 v0, v15;
	v0 =	vmovc v7;
	v16 =	vmul.f32 $2.560000000e+02, v18;
	v18 =	vld [tilespmem:s15+$0x3DA0]  }
0x4c: {  	v7 =	vcvt.f32.s32 v14;
	v4 =	vadd.s32 v4, v13;
	v14 =	vcvt.f32.s32 v11;
	v23 =	vld [tilespmem:s15+$0x3DB0];
	[tilespmem:s12+$0xB890] =	vst v5  }
0x4d: {  	v8 =	vcvt.f32.s32 v8;
	v11 =	vmul.f32 $2.560000000e+02, v19;
	v5 =	vld [tilespmem:s15+$0x0];
	[tilespmem:s12+$0xB880] =	vst v4;
	s12 =	smov.u32 s13;
	s13 =	smov.u32 s15  }
0x4e: {  	v15 =	vcvt.f32.s32 v10;
	v19 =	vmul.u32 $0x103, v7;
	v13 =	vmul.f32 $2.560000000e+02, v21  }
0x4f: {  	v22 =	vtrunc.f32 v22;
	v7 =	vtrunc.f32 v11;
	v11 =	vmul.u32 $0x103, v8;
	v21 =	vld [tilespmem:s13+$0x3D80]  }
0x50: {  	v15 =	vmul.u32 $0x10609, v15;
	v4 =	vcvt.f32.s32 v1;
	v10 =	vmul.f32 $2.560000000e+02, v17;
	v24 =	vld [tilespmem:s13+$0x3D90]  }
0x51: {  	v6 =	vadd.s32 v6, v19;
	v17 =	vtrunc.f32 v9;
	v8 =	vmul.f32 $2.560000000e+02, v18  }
.Ltmp0:
0x52: {  	v1 =	vtrunc.f32 v16;
	v13 =	vtrunc.f32 v13;
	v15 =	vadd.s32 v15, v11;
	v9 =	vld [tilespmem:s13+$0x10];
	(pc) =	sbr.rel @p1 .LBB2_2-.Ltmp0, $4  }
0x53: {  	v11 =	vmul.f32 $2.560000000e+02, v12;
	v18 =	vcvt.f32.s32 v13;
	v15 =	vadd.s32 v20, v15  }
0x54: {  	v14 =	vadd.s32 v14, v6;
	v13 =	vcvt.f32.s32 v22;
	v19 =	vmul.f32 $2.560000000e+02, v21;
	v12 =	vld [tilespmem:s13+$0x7B30];
	[tilespmem:s12+$0xB8A0] =	vst v15  }
0x55: {  	v6 =	vmul.u32 $0x10609, v18;
	v15 =	vcvt.f32.s32 v17;
	v16 =	vmul.f32 $2.560000000e+02, v24;
	[tilespmem:s12+$0xB8B0] =	vst v14  }
0x56: {  	v14 =	vmul.f32 $2.560000000e+02, v23;
	v17 =	vtrunc.f32 v19  }
0x57: {  	v17 =	vcvt.f32.s32 v17;
	v10 =	vtrunc.f32 v10  }
0x58: {  	v16 =	vtrunc.f32 v16;
	v11 =	vtrunc.f32 v11  }
0x59: {  	v9 =	vmul.f32 $2.560000000e+02, v9;
	v7 =	vcvt.f32.s32 v7  }
0x5a: {  	v8 =	vtrunc.f32 v8;
	v5 =	vmul.f32 $2.560000000e+02, v5  }
0x5b: {  	v11 =	vcvt.f32.s32 v11;
	v16 =	vcvt.f32.s32 v16  }
0x5c: {  	v13 =	vmul.u32 $0x10609, v13;
	v14 =	vtrunc.f32 v14;
	v8 =	vcvt.f32.s32 v8  }
0x5d: {  	v15 =	vmul.u32 $0x10609, v15;
	v10 =	vcvt.f32.s32 v10;
	v12 =	vmul.f32 $2.560000000e+02, v12  }
0x5e: {  	v17 =	vmul.u32 $0x103, v17;
	v3 =	vadd.s32 v13, v3;
	v50 =	vcvt.f32.s32 v14  }
0x5f: {  	v2 =	vadd.s32 v15, v2;
	v52 =	vtrunc.f32 v5;
	v53 =	vtrunc.f32 v9  }
0x60: {  	v51 =	vmul.u32 $0x103, v16;
	v0 =	vadd.s32 v0, v2;
	v8 =	vmul.u32 $0x103, v8  }
0x61: {  	v54 =	vmul.u32 $0x10609, v10;
	v5 =	vcvt.f32.s32 v53;
	v2 =	vcvt.f32.s32 v52  }
0x62: {  	v3 =	vadd.s32 v4, v3;
	v12 =	vtrunc.f32 v12;
	v56 =	vmul.u32 $0x103, v50  }
0x63: {  	[tilespmem:s12+$0xB890] =	vst v0;
	v55 =	vcvt.f32.s32 v12;
	v57 =	vadd.s32 v54, v8;
	v58 =	vmul.u32 $0x10609, v5  }
0x64: {  	[tilespmem:s12+$0xB880] =	vst v3;
	v2 =	vmul.u32 $0x10609, v2;
	v59 =	vadd.s32 v6, v56;
	v0 =	vadd.s32 v11, v57  }
0x65: {  	v1 =	vcvt.f32.s32 v1;
	[tilespmem:s13+$0xB8A0] =	vst v0;
	v60 =	vadd.s32 v55, v59;
	v61 =	vadd.s32 v58, v51  }
0x66: {  	v62 =	vadd.s32 v2, v17;
	[tilespmem:s13+$0xB8B0] =	vst v60;
	v63 =	vadd.s32 v7, v61  }
0x67: {  	v0 =	vadd.s32 v1, v62;
	[tilespmem:s13+$0xB890] =	vst v63  }
0x68: {  	s12 =	simm.s32 @p0 $0x0;
	[tilespmem:s13+$0xB880] =	vst v0;
	s13 =	simm.s32 @p0 $0xB880  }
0x69: {  	[hbm4b:s10+s12] =	stream.linear.scatter @p0 [tilespmem:s13], [sflag:$0x1], $0x3D28, $0x38;
	[tilespmem:$0xF600] =	vst v63  }
0x6a: {  	s12 =	simm.s32 @p0 $0x1  }
0x6b: {  	s2 =	sadd.s32 $0x1, s2;
	_ =	swait.ge @p0 [sflag:s12], $0x3D28  }
0x6c: {  	p1 =	sne.s32 s2, s11;
	[sflag:s12] =	ssyncset.done @p0 $0x0  }
0x6d: {  	s13 =	simm.s32 @!p0 $0xB880;
	[sflag:s12] =	ssyncadd.s32 @p0 $0xFFFFC2D8;
	s12 =	simm.s32 @!p0 $0x0  }
0x6e: {  	[hbm4b:s9+s12] =	stream.linear.scatter @!p0 [tilespmem:s13], [sflag:$0x1], $0x3D08, $0x38;
	[tilespmem:$0xF600] =	vst v63  }
.Ltmp1:
0x6f: {  	_ = 	snop;
	(pc) =	sbr.rel @p1 .LBB2_1-.Ltmp1, $4  }
0x70: {  	s12 =	simm.s32 @!p0 $0x1  }
0x71: {  	_ =	swait.ge @!p0 [sflag:s12], $0x3D08  }
0x72: {  	[sflag:s12] =	ssyncset.done @!p0 $0x0  }
0x73: {  	[sflag:s12] =	ssyncadd.s32 @!p0 $0xFFFFC2F8  }
0x74: {  	_ =	sfence.sel $0x180000  }
0x75: {  	[bflag:$0x0] =	sbarrier.arrive $0xFFFF  }
0x76: {  	p0 =	sne.s32 s0, $0x0;
	_ =	strace $0x90000047  }
0x77: {  	s0 =	sadd.s32 @!p0 $0x100000, s1;
	[bflag:$0x2] =	sbarrier.arrive $0xFFFF  }
0x78: {  	[sflag:s0] =	ssyncadd.tile.s32 @!p0 $0x1;
	_ =	shalt  }
.Lfunc_end2:
_tile_overlayer_lowered:
.L_overlay_start_2:
0x79: {  	(tag) =	ssettag $0x2  }
0x7a: {  	s0 =	rddreg [dreg:$0x0];
	s2 =	stileid.u32  }
0x7b: {  	s1 =	rddreg [dreg:$0x1];
	p0 =	sne.s32 s2, $0x0  }
0x7c: {  	s3 =	rddreg [dreg:$0x2];
	[bflag:$0x3] =	sbarrier.arrive $0xFFFF;
	s2 =	simm.s32 @!p0 $0x1C01  }
0x7d: {  	[timem:s3], [sflag:s2] =	dma.local @!p0 [hbm:s0], s1  }
0x7e: {  	s0 =	simm.s32 @!p0 $0x1  }
0x7f: {  	_ =	swait.ge @!p0 [sflag:s0], s1  }
0x80: {  	s1 =	ssub.s32 @!p0 $0x0, s1;
	[sflag:s0] =	ssyncset.done @!p0 $0x0  }
0x81: {  	[sflag:s0] =	ssyncadd.s32 @!p0 s1  }
0x82: {  	[bflag:$0x3] =	sbarrier.arrive $0xFFFF  }
0x83: {  	_ =	shalt  }

// kernel: kernel.8.cloned.1.call-start
scs
__scs_entry_jumppad:
0x0: {  	(pc) =	sbr.rel $0x88, $3  }
0x1: {  	(tag) =	ssettag $0x0;
	lr =	simm.s32 $0x1  }
0x2: {  	[smem:$0x3F9F] =	sst lr;
	_ =	strace $0xD0000000  }
0x3: {  	_ = 	snop  }
0x4: {  	_ = 	snop  }
0x5: {  	_ = 	snop  }
0x6: {  	_ = 	snop  }
0x7: {  	_ = 	snop  }
__scs_overlays_trampoline_lowered:
0x8: {  	[smem:$0x3FAE] =	sst s0  }
0x9: {  	[smem:$0x3FAF] =	sst s1  }
0xa: {  	[smem:$0x3FB0] =	sst s2  }
0xb: {  	[smem:$0x3FB1] =	sst s3  }
0xc: {  	[smem:$0x3FB2] =	sst s4  }
0xd: {  	[smem:$0x3FB3] =	sst s5  }
0xe: {  	[smem:$0x3FB4] =	sst s6  }
0xf: {  	[smem:$0x3FB5] =	sst s7  }
0x10: {  	[smem:$0x3FB6] =	sst s8  }
0x11: {  	[smem:$0x3FB7] =	sst s9;
	s0 =	simm.s32 @!p0 $0x0  }
0x12: {  	s1 =	sld [smem:$0x3F9D];
	s0 =	simm.s32 @p0 $0x1  }
0x13: {  	[smem:$0x3FB8] =	sst s0;
	s0 =	simm.s32 @!p1 $0x0  }
0x14: {  	s2 =	sld [smem:$0x3F9C];
	s0 =	simm.s32 @p1 $0x1  }
0x15: {  	[smem:$0x3FB9] =	sst s0;
	s0 =	simm.s32 @!p2 $0x0  }
0x16: {  	s3 =	sld [smem:$0x3FDB];
	s0 =	simm.s32 @p2 $0x1  }
0x17: {  	s4 =	simm.s32 $0x1BF5;
	[smem:$0x3FBB] =	sst s0  }
0x18: {  	s0 =	sld [smem:$0x3F9E];
	_ =	swait.ge [sflag:s4], $0x0  }
0x19: {  	s7 =	sld [smem:$0x3F9F]  }
0x1a: {  	s8 =	sadd.s32 $0xFFFFE003, lr  }
0x1b: {  	s9 =	sadd.s32 $0xFFFFFEF7, lr;
	s5 =	simm.s32 $0xFFFFFFFF;
	p2 =	slt.u32 s8, $0xFFFFF086  }
0x1c: {  	p1 =	slt.u32 s9, $0xF7A;
	s5 =	simm.s32 @!p2 $0x0  }
0x1d: {  	s5 =	simm.s32 @p1 $0x1;
	p0 =	seq.s32 s7, s2  }
0x1e: {  	s7 =	smul.u32 @!p0 $0xF7A, s2;
	p2 =	seq.s32 @!p0 s5, $0x0  }
0x1f: {  	s9 =	smul.u32 $0xF7A, s1;
	s8 =	simm.s32 @!p0 $0x1BF5;
	p2 =	por !p2, p0  }
0x20: {  	[sflag:s8] =	ssyncset.s32 @!p0 $0xFFFFF086;
	s6 =	sadd.s32 @!p0 s3, s7;
	s7 =	simm.s32 @!p0 $0x108  }
0x21: {  	s3 =	sadd.s32 s3, s9;
	s6 =	sadd.s32 @!p0 $0x88, s6;
	s7 =	simm.s32 @p2 $0x1082  }
0x22: {  	[simem:s7], [sflag:s8] =	dma.local @!p0 [hbm:s6], $0xF7A  }
0x23: {  	s9 =	sor.u32 $0xD0000000, s2;
	s6 =	simm.s32 $0x108;
	_ =	swait.ge @!p0 [sflag:s8], $0x0  }
0x24: {  	s3 =	sadd.s32 $0x88, s3;
	s6 =	simm.s32 @!p1 $0x1082;
	[sflag:s4] =	ssyncset.s32 $0xFFFFF086  }
0x25: {  	[simem:s6], [sflag:s4] =	dma.local [hbm:s3], $0xF7A  }
0x26: {  	[smem:$0x3F9F] =	sst s1;
	(tag) =	ssettag s2;
	_ =	strace s9  }
0x27: {  	s1 =	sld [smem:$0x3FAF]  }
0x28: {  	s2 =	sld [smem:$0x3FB0]  }
0x29: {  	s4 =	sld [smem:$0x3FB2]  }
0x2a: {  	p0 =	seq.s32 s5, $0x0;
	s5 =	sld [smem:$0x3FB3]  }
0x2b: {  	s6 =	sld [smem:$0x3FB4]  }
0x2c: {  	s7 =	sld [smem:$0x3FB5]  }
0x2d: {  	s3 =	simm.s32 $0x108;
	s8 =	sld [smem:$0x3FB6]  }
0x2e: {  	s3 =	simm.s32 @!p0 $0x1082;
	s9 =	sld [smem:$0x3FB7]  }
0x2f: {  	lr =	sadd.s32 s0, s3;
	s0 =	sld [smem:$0x3FAE]  }
0x30: {  	s3 =	sld [smem:$0x3FB1]  }
0x31: {  	[smem:$0x3FBA] =	sst s10  }
0x32: {  	s10 =	sld [smem:$0x3FB8];
	_ =	sdelay $0x3  }
0x33: {  	p0 =	seq.s32 s10, $0x1;
	s10 =	sld [smem:$0x3FBA];
	_ =	sdelay $0x3  }
0x34: {  	[smem:$0x3FBA] =	sst s10  }
0x35: {  	s10 =	sld [smem:$0x3FB9];
	_ =	sdelay $0x3  }
0x36: {  	p1 =	seq.s32 s10, $0x1;
	s10 =	sld [smem:$0x3FBA];
	_ =	sdelay $0x3  }
0x37: {  	[smem:$0x3FBA] =	sst s10  }
0x38: {  	s10 =	sld [smem:$0x3FBB]  }
0x39: {  	_ = 	snop;
	(pc) =	sbr.ind lr, $3  }
0x3a: {  	_ = 	snop  }
0x3b: {  	_ = 	snop  }
0x3c: {  	p2 =	seq.s32 s10, $0x1;
	s10 =	sld [smem:$0x3FBA]  }
0x3d: {  	_ =	shalt  }
0x3e: {  	_ =	shalt  }
0x3f: {  	_ =	shalt  }
0x40: {  	_ =	shalt  }
0x41: {  	_ =	shalt  }
0x42: {  	_ =	shalt  }
0x43: {  	_ =	shalt  }
0x44: {  	_ =	shalt  }
0x45: {  	_ =	shalt  }
0x46: {  	_ =	shalt  }
0x47: {  	_ =	shalt  }
0x48: {  	_ =	shalt  }
0x49: {  	_ =	shalt  }
0x4a: {  	_ =	shalt  }
0x4b: {  	_ =	shalt  }
0x4c: {  	_ =	shalt  }
0x4d: {  	_ =	shalt  }
0x4e: {  	_ =	shalt  }
0x4f: {  	_ =	shalt  }
0x50: {  	_ =	shalt  }
0x51: {  	_ =	shalt  }
0x52: {  	_ =	shalt  }
0x53: {  	_ =	shalt  }
0x54: {  	_ =	shalt  }
0x55: {  	_ =	shalt  }
0x56: {  	_ =	shalt  }
0x57: {  	_ =	shalt  }
0x58: {  	_ =	shalt  }
0x59: {  	_ =	shalt  }
0x5a: {  	_ =	shalt  }
0x5b: {  	_ =	shalt  }
0x5c: {  	_ =	shalt  }
0x5d: {  	_ =	shalt  }
0x5e: {  	_ =	shalt  }
0x5f: {  	_ =	shalt  }
0x60: {  	_ =	shalt  }
0x61: {  	_ =	shalt  }
0x62: {  	_ =	shalt  }
0x63: {  	_ =	shalt  }
0x64: {  	_ =	shalt  }
0x65: {  	_ =	shalt  }
0x66: {  	_ =	shalt  }
0x67: {  	_ =	shalt  }
0x68: {  	_ =	shalt  }
0x69: {  	_ =	shalt  }
0x6a: {  	_ =	shalt  }
0x6b: {  	_ =	shalt  }
0x6c: {  	_ =	shalt  }
0x6d: {  	_ =	shalt  }
0x6e: {  	_ =	shalt  }
0x6f: {  	_ =	shalt  }
0x70: {  	_ =	shalt  }
0x71: {  	_ =	shalt  }
0x72: {  	_ =	shalt  }
0x73: {  	_ =	shalt  }
0x74: {  	_ =	shalt  }
0x75: {  	_ =	shalt  }
0x76: {  	_ =	shalt  }
0x77: {  	_ =	shalt  }
0x78: {  	_ =	shalt  }
0x79: {  	_ =	shalt  }
0x7a: {  	_ =	shalt  }
0x7b: {  	_ =	shalt  }
0x7c: {  	_ =	shalt  }
0x7d: {  	_ =	shalt  }
0x7e: {  	_ =	shalt  }
0x7f: {  	_ =	shalt  }
0x80: {  	_ =	shalt  }
0x81: {  	_ =	shalt  }
0x82: {  	_ =	shalt  }
0x83: {  	_ =	shalt  }
0x84: {  	_ =	shalt  }
0x85: {  	_ =	shalt  }
0x86: {  	_ =	shalt  }
0x87: {  	_ =	shalt  }
.Lfunc_end0:
.L_simem_size_0:
called_computation.1_lowered:
.L_overlay_start_0:
0x88: {  	s2 =	sld [smem:$0x3FD9]  }
0x89: {  	s3 =	sld [smem:$0x3FFE];
	_ =	sdelay $0x1  }
0x8a: {  	s1 =	srdreg.scid  }
0x8b: {  	s0 =	sand.u32 $0x1, s1  }
0x8c: {  	s16 =	sshll.u32 s0, $0xA;
	s2 =	sadd.s32 s3, s2  }
0x8d: {  	s2 =	sadd.s32 s2, s16  }
0x8e: {  	[smem:$0x3FC6] =	sst s2  }
0x8f: {  	_ = 	snop  }
0x90: {  	(tm) =	ssettm $0x1  }
0x91: {  	s17 =	sld [smem:$0x3FFB];
	_ =	sdelay $0x3  }
0x92: {  	_ =	strace s17  }
0x93: {  	s2 =	sld [smem:$0x3FFC];
	_ =	sdelay $0x3  }
0x94: {  	_ =	strace s2  }
0x95: {  	s2 =	sld [smem:$0x3FFD];
	_ =	sdelay $0x3  }
0x96: {  	_ =	strace s2  }
0x97: {  	_ =	strace $0x8FFFFFFF  }
0x98: {  	s18 =	sld [smem:$0x3FDB];
	_ =	sdelay $0x1  }
0x99: {  	s19 =	simm.s32 $_scs_section_size  }
0x9a: {  	s4 =	simm.s32 $_size__tile_overlayer_lowered;
	s5 =	simm.s32 $_tile_overlayer_lowered  }
0x9b: {  	s22 =	simm.s32 $0x1BFF;
	s21 =	sshll.u32 s5, $0x1;
	s2 =	sadd.s32 s19, s18  }
0x9c: {  	s6 =	simm.s32 $0x0;
	s20 =	sshll.u32 s4, $0x1;
	s4 =	sadd.s32 s21, s2  }
0x9d: {  	[timem:s6], [sflag:s22] =	dma.local [hbm:s4], s20  }
0x9e: {  	_ =	swait.ge [sflag:s22], s20  }
0x9f: {  	s3 =	ssub.s32 $0x0, s20;
	[sflag:s22] =	ssyncset.done $0x0  }
0xa0: {  	[sflag:s22] =	ssyncadd.s32 s3;
	_ =	sdelay $0x1  }
0xa1: {  	s23 =	simm.s32 $0x1B8B  }
0xa2: {  	_ =	swait.ge [sflag:s23], $0x1  }
0xa3: {  	[sflag:s23] =	ssyncset.done $0x0  }
0xa4: {  	s25 =	simm.s32 $0x1B8E;
	s24 =	sld [smem:$0x3FFE];
	[sflag:s23] =	ssyncadd.s32 $0xFFFFFFFF  }
0xa5: {  	s26 =	simm.s32 $execute0_lowered;
	[smem:$0x3FD2] =	sst s25  }
0xa6: {  	s4 =	sshll.u32 s26, $0x1;
	_ =	strace $0x80000049;
	[dreg:$0x1] =	wrdreg $0xFFFFFFFF  }
0xa7: {  	s28 =	simm.s32 $_size_execute0_lowered;
	s2 =	sadd.s32 s2, s4;
	[dreg:$0x0] =	wrdreg $0x0  }
0xa8: {  	s4 =	sshll.u32 s28, $0x1;
	[dreg:$0x2] =	wrdreg s2  }
0xa9: {  	[dreg:$0x3] =	wrdreg s4  }
0xaa: {  	[dreg:$0x4] =	wrdreg $0xC0  }
0xab: {  	_ =	task [dreg:s6], $0x5FFFF  }
0xac: {  	[dreg:$0x1] =	wrdreg $0xFFFFFFFF  }
0xad: {  	[dreg:$0x0] =	wrdreg $0x60  }
0xae: {  	[dreg:$0x2] =	wrdreg s24  }
0xaf: {  	[dreg:$0x3] =	wrdreg $0x9  }
0xb0: {  	_ =	task.clear_ibuf [dreg:s6], $0x4FFFF;
	_ =	strace $0x90000049  }
0xb1: {  	s29 =	simm.s32 $0x9;
	_ =	strace $0x8000004B  }
0xb2: {  	_ =	swait.ge [sflag:s29], $0x1  }
0xb3: {  	[sflag:s29] =	ssyncadd.s32 $0xFFFFFFFF  }
0xb4: {  	_ =	strace $0x9000004B  }
0xb5: {  	_ =	sfence  }
0xb6: {  	s30 =	sld [smem:$0x0];
	_ =	sdelay $0x2  }
0xb7: {  	s31 =	sshll.u32 s1, $0xD;
	s1 =	sshrl.u32 s1, $0x2  }
0xb8: {  	s3 =	sand.u32 $0x4000, s31;
	s1 =	sadd.s32 s1, s30  }
0xb9: {  	s0 =	sor.u32 s3, s0;
	s1 =	sshll.u32 s1, $0x11  }
0xba: {  	s0 =	sor.u32 s1, s0  }
0xbb: {  	s0 =	sadd.s32 $0x8F2B, s0  }
0xbc: {  	[sflag:s0] =	ssyncadd.remote.s32 $0x1  }
0xbd: {  	_ =	sfence.sel $0xFFFF  }
0xbe: {  	[dreg:$0x0] =	wrdreg $0xFFFFFFFF;
	(pc) =	sbr.abs _section_cstart, $3  }
0xbf: {  	[dreg:$0x1] =	wrdreg $0xFFFFFFFF  }
0xc0: {  	_ =	task.clear_ibuf [dreg:s6], $0x2FFFF;
	_ =	strace $0x9FFFFFFF  }
0xc1: {  	(tm) =	ssettm $0x7FFFFFFF  }
tec
execute0_lowered:
.L_overlay_start_1:
0x0: {  	(tag) =	ssettag $0x1  }
0x1: {  	s0 =	srdreg.scid  }
0x2: {  	s2 =	sand.u32 $0x1, s0  }
0x3: {  	s3 =	ssub.s32 $0x2, s2  }
0x4: {  	s7 =	sshrl.u32 s3, $0x1  }
0x5: {  	s30 =	ssub.s32 s3, s7  }
0x6: {  	s31 =	smax.u32 s30, $0x1  }
0x7: {  	s1 =	stileid.u32;
	s17 =	sadd.s32 $0xFFFFFFFF, s31  }
0x8: {  	s4 =	sshll.u32 s1, $0x1;
	p2 =	sne.s32 s17, $0x0  }
.Ltmp0:
0x9: {  	s5 =	rddreg [dreg:$0x0];
	s8 =	sor.u32 s2, s4;
	(pc) =	sbr.rel @!p2 .LBB2_3-.Ltmp0, $4  }
0xa: {  	s6 =	simm.s32 $0x0;
	s0 =	rddreg [dreg:$0x1];
	s4 =	smul.u32 $0x7A1, s8  }
0xb: {  	p1 =	por $0x0, $0x0;
	[smem:$0x7FF] =	sst s6;
	s6 =	sadd.s32 $0x3CE7F, s5  }
0xc: {  	_ =	strace $0x8000004A;
	p0 =	seq.s32 s8, $0x1F;
	s2 =	sadd.s32 s5, s4  }
0xd: {  	s3 =	sadd.s32 $0x3D800, s5;
	s5 =	sadd.s32 $0xEC7F, s5;
	s4 =	sadd.s32 $0x2E200, s2  }
0xe: {  	s7 =	simm.s32 @p0 $0x0;
	s8 =	simm.s32 @p0 $0x2  }
0xf: {  	[tilespmem:s7], [sflag:$0x2] =	stream.linear.gather @p0 [hbm4b:s6+s7], $0x3D28, $0x38;
	[tilespmem:$0x7B00] =	vst v63  }
0x10: {  	_ =	swait.ge @p0 [sflag:s8], $0x3D28  }
0x11: {  	s9 =	simm.s32 @p0 $0x1;
	[sflag:s8] =	ssyncset.done @p0 $0x0  }
0x12: {  	s10 =	simm.s32 @p0 $0x3D28;
	s11 =	simm.s32 @p0 $0x3D80;
	[sflag:s8] =	ssyncadd.s32 @p0 $0xFFFFC2D8  }
0x13: {  	[tilespmem:s11], [sflag:$0x1] =	stream.indirect.gather @p0 [hbm4b:s3+s10], $0x1, s7, s10, $0xb8;
	[tilespmem:$0x7B00] =	vst v63  }
0x14: {  	_ =	swait.ge @p0 [sflag:s9], $0x3D28  }
0x15: {  	[sflag:s9] =	ssyncset.done @p0 $0x0  }
0x16: {  	[sflag:s9] =	ssyncadd.s32 @p0 $0xFFFFC2D8  }
0x17: {  	[hbm4b:s5+s7] =	stream.linear.scatter @p0 [tilespmem:s11], [sflag:$0x2], $0x3D28, $0x38;
	[tilespmem:$0x7B00] =	vst v63  }
0x18: {  	_ =	swait.ge @p0 [sflag:s8], $0x3D28  }
0x19: {  	[sflag:s8] =	ssyncset.done @p0 $0x0  }
0x1a: {  	s13 =	simm.s32 @!p0 $0x0;
	s12 =	simm.s32 @!p0 $0x2;
	[sflag:s8] =	ssyncadd.s32 @p0 $0xFFFFC2D8  }
0x1b: {  	[tilespmem:s13], [sflag:$0x2] =	stream.linear.gather @!p0 [hbm4b:s4+s13], $0x3D08, $0x38;
	[tilespmem:$0x7B00] =	vst v63  }
0x1c: {  	_ =	swait.ge @!p0 [sflag:s12], $0x3D08  }
0x1d: {  	s14 =	simm.s32 @!p0 $0x1;
	s15 =	simm.s32 @!p0 $0x3D08;
	[sflag:s12] =	ssyncset.done @!p0 $0x0  }
0x1e: {  	s16 =	simm.s32 @!p0 $0x3D80;
	s17 =	sadd.s32 $0xFFFFFFFF, s17;
	[sflag:s12] =	ssyncadd.s32 @!p0 $0xFFFFC2F8  }
0x1f: {  	[tilespmem:s16], [sflag:$0x1] =	stream.indirect.gather @!p0 [hbm4b:s3+s15], $0x1, s13, s15, $0xb8;
	[tilespmem:$0x7B00] =	vst v63  }
0x20: {  	p2 =	sne.s32 s17, $0x0;
	_ =	swait.ge @!p0 [sflag:s14], $0x3D08  }
.Ltmp1:
0x21: {  	[sflag:s14] =	ssyncset.done @!p0 $0x0;
	(pc) =	sbr.rel @!p2 .LBB2_3-.Ltmp1, $4  }
0x22: {  	[sflag:s14] =	ssyncadd.s32 @!p0 $0xFFFFC2F8  }
0x23: {  	[hbm4b:s2+s13] =	stream.linear.scatter @!p0 [tilespmem:s16], [sflag:$0x2], $0x3D08, $0x38;
	[tilespmem:$0x7B00] =	vst v63  }
0x24: {  	_ =	swait.ge @!p0 [sflag:s12], $0x3D08  }
0x25: {  	p1 =	por $0x1, $0x1;
	[sflag:s12] =	ssyncset.done @!p0 $0x0  }
.LBB2_2:
0x26: {  	[sflag:s12] =	ssyncadd.s32 @!p0 $0xFFFFC2F8  }
0x27: {  	[tilespmem:s7], [sflag:$0x2] =	stream.linear.gather @p0 [hbm4b:s6+s7], $0x3D28, $0x38;
	[tilespmem:$0x7B00] =	vst v63  }
0x28: {  	s17 =	sadd.s32 $0xFFFFFFFF, s17;
	_ =	swait.ge @p0 [sflag:s8], $0x3D28  }
0x29: {  	p2 =	sne.s32 s17, $0x0;
	[sflag:s8] =	ssyncset.done @p0 $0x0  }
0x2a: {  	[sflag:s8] =	ssyncadd.s32 @p0 $0xFFFFC2D8  }
0x2b: {  	[tilespmem:s11], [sflag:$0x1] =	stream.indirect.gather @p0 [hbm4b:s3+s10], $0x1, s7, s10, $0xb8;
	[tilespmem:$0x7B00] =	vst v63  }
0x2c: {  	_ =	swait.ge @p0 [sflag:s9], $0x3D28  }
0x2d: {  	[sflag:s9] =	ssyncset.done @p0 $0x0  }
0x2e: {  	[sflag:s9] =	ssyncadd.s32 @p0 $0xFFFFC2D8  }
0x2f: {  	[hbm4b:s5+s7] =	stream.linear.scatter @p0 [tilespmem:s11], [sflag:$0x2], $0x3D28, $0x38;
	[tilespmem:$0x7B00] =	vst v63  }
0x30: {  	_ =	swait.ge @p0 [sflag:s8], $0x3D28  }
0x31: {  	[sflag:s8] =	ssyncset.done @p0 $0x0  }
0x32: {  	[sflag:s8] =	ssyncadd.s32 @p0 $0xFFFFC2D8  }
0x33: {  	[tilespmem:s13], [sflag:$0x2] =	stream.linear.gather @!p0 [hbm4b:s4+s13], $0x3D08, $0x38;
	[tilespmem:$0x7B00] =	vst v63  }
0x34: {  	_ =	swait.ge @!p0 [sflag:s12], $0x3D08  }
0x35: {  	[sflag:s12] =	ssyncset.done @!p0 $0x0  }
0x36: {  	[sflag:s12] =	ssyncadd.s32 @!p0 $0xFFFFC2F8  }
0x37: {  	[tilespmem:s16], [sflag:$0x1] =	stream.indirect.gather @!p0 [hbm4b:s3+s15], $0x1, s13, s15, $0xb8;
	[tilespmem:$0x7B00] =	vst v63  }
0x38: {  	_ =	swait.ge @!p0 [sflag:s14], $0x3D08  }
.Ltmp2:
0x39: {  	[sflag:s14] =	ssyncset.done @!p0 $0x0;
	(pc) =	sbr.rel @p2 .LBB2_2-.Ltmp2, $4  }
0x3a: {  	[sflag:s14] =	ssyncadd.s32 @!p0 $0xFFFFC2F8  }
0x3b: {  	[hbm4b:s2+s13] =	stream.linear.scatter @!p0 [tilespmem:s16], [sflag:$0x2], $0x3D08, $0x38;
	[tilespmem:$0x7B00] =	vst v63  }
0x3c: {  	_ =	swait.ge @!p0 [sflag:s12], $0x3D08  }
0x3d: {  	[sflag:s12] =	ssyncset.done @!p0 $0x0  }
.LBB2_3:
0x3e: {  	p1 =	por p0, !p1  }
0x3f: {  	s7 =	simm.s32 @p0 $0x0;
	s8 =	simm.s32 @p0 $0x2;
	[sflag:s12] =	ssyncadd.s32 @!p1 $0xFFFFC2F8  }
0x40: {  	[tilespmem:s7], [sflag:$0x2] =	stream.linear.gather @p0 [hbm4b:s6+s7], $0x3D28, $0x38;
	[tilespmem:$0x7B00] =	vst v63  }
0x41: {  	_ =	swait.ge @p0 [sflag:s8], $0x3D28  }
0x42: {  	s9 =	simm.s32 @p0 $0x3D28;
	[sflag:s8] =	ssyncset.done @p0 $0x0  }
0x43: {  	s10 =	simm.s32 @p0 $0x3D80;
	s6 =	simm.s32 @p0 $0x1;
	[sflag:s8] =	ssyncadd.s32 @p0 $0xFFFFC2D8  }
0x44: {  	[tilespmem:s10], [sflag:$0x1] =	stream.indirect.gather @p0 [hbm4b:s3+s9], $0x1, s7, s9, $0xb8;
	[tilespmem:$0x7B00] =	vst v63  }
0x45: {  	_ =	swait.ge @p0 [sflag:s6], $0x3D28  }
0x46: {  	[sflag:s6] =	ssyncset.done @p0 $0x0  }
0x47: {  	[sflag:s6] =	ssyncadd.s32 @p0 $0xFFFFC2D8  }
0x48: {  	[hbm4b:s5+s7] =	stream.linear.scatter @p0 [tilespmem:s10], [sflag:$0x2], $0x3D28, $0x38;
	[tilespmem:$0x7B00] =	vst v63  }
0x49: {  	_ =	swait.ge @p0 [sflag:s8], $0x3D28  }
0x4a: {  	[sflag:s8] =	ssyncset.done @p0 $0x0  }
0x4b: {  	s6 =	simm.s32 @!p0 $0x2;
	s5 =	simm.s32 @!p0 $0x0;
	[sflag:s8] =	ssyncadd.s32 @p0 $0xFFFFC2D8  }
0x4c: {  	[tilespmem:s5], [sflag:$0x2] =	stream.linear.gather @!p0 [hbm4b:s4+s5], $0x3D08, $0x38;
	[tilespmem:$0x7B00] =	vst v63  }
0x4d: {  	_ =	swait.ge @!p0 [sflag:s6], $0x3D08  }
0x4e: {  	s7 =	simm.s32 @!p0 $0x3D08;
	[sflag:s6] =	ssyncset.done @!p0 $0x0  }
0x4f: {  	s8 =	simm.s32 @!p0 $0x3D80;
	s4 =	simm.s32 @!p0 $0x1;
	[sflag:s6] =	ssyncadd.s32 @!p0 $0xFFFFC2F8  }
0x50: {  	[tilespmem:s8], [sflag:$0x1] =	stream.indirect.gather @!p0 [hbm4b:s3+s7], $0x1, s5, s7, $0xb8;
	[tilespmem:$0x7B00] =	vst v63  }
0x51: {  	_ =	swait.ge @!p0 [sflag:s4], $0x3D08  }
0x52: {  	[sflag:s4] =	ssyncset.done @!p0 $0x0  }
0x53: {  	[sflag:s4] =	ssyncadd.s32 @!p0 $0xFFFFC2F8  }
0x54: {  	[hbm4b:s2+s5] =	stream.linear.scatter @!p0 [tilespmem:s8], [sflag:$0x2], $0x3D08, $0x38;
	[tilespmem:$0x7B00] =	vst v63  }
0x55: {  	_ =	swait.ge @!p0 [sflag:s6], $0x3D08  }
0x56: {  	[sflag:s6] =	ssyncset.done @!p0 $0x0  }
0x57: {  	[sflag:s6] =	ssyncadd.s32 @!p0 $0xFFFFC2F8  }
0x58: {  	_ =	sfence.sel $0x180000  }
0x59: {  	[bflag:$0x0] =	sbarrier.arrive $0xFFFF  }
0x5a: {  	p0 =	sne.s32 s1, $0x0;
	_ =	strace $0x9000004A  }
0x5b: {  	s0 =	sadd.s32 @!p0 $0x100000, s0;
	[bflag:$0x2] =	sbarrier.arrive $0xFFFF  }
0x5c: {  	[sflag:s0] =	ssyncadd.tile.s32 @!p0 $0x1;
	_ =	shalt  }
.Lfunc_end2:
_tile_overlayer_lowered:
.L_overlay_start_2:
0x5d: {  	(tag) =	ssettag $0x2  }
0x5e: {  	s0 =	rddreg [dreg:$0x0];
	s2 =	stileid.u32  }
0x5f: {  	s1 =	rddreg [dreg:$0x1];
	p0 =	sne.s32 s2, $0x0  }
0x60: {  	s3 =	rddreg [dreg:$0x2];
	[bflag:$0x3] =	sbarrier.arrive $0xFFFF;
	s2 =	simm.s32 @!p0 $0x1C02  }
0x61: {  	[timem:s3], [sflag:s2] =	dma.local @!p0 [hbm:s0], s1  }
0x62: {  	s0 =	simm.s32 @!p0 $0x2  }
0x63: {  	_ =	swait.ge @!p0 [sflag:s0], s1  }
0x64: {  	s1 =	ssub.s32 @!p0 $0x0, s1;
	[sflag:s0] =	ssyncset.done @!p0 $0x0  }
0x65: {  	[sflag:s0] =	ssyncadd.s32 @!p0 s1  }
0x66: {  	[bflag:$0x3] =	sbarrier.arrive $0xFFFF  }
0x67: {  	_ =	shalt  }

</sc_bundles>
